<compile_context>
chip_gen: v7x
topology: tpu7x:2x2x1
jax: 0.10.2.dev20260603
libtpu: 0.0.44.dev20260713+nightly
codegen_flags: <defaults>
</compile_context>

<pallas_src>
import functools

import jax
import jax.numpy as jnp
from jax import lax
from jax.experimental import pallas as pl
from jax.experimental.pallas import tpu as pltpu
from jax.experimental.pallas import tpu_sc as plsc

_NC = 2
_NS = 16
_NW = _NC * _NS
_C = 128
_NBUF = 8
_AHEAD = 6


def _col_parts(k: int):
    return [(off, min(_C, k - off)) for off in range(0, k, _C)]


@functools.lru_cache(maxsize=None)
def _make_lookup_2d(r_total: int, k: int, d: int):
    rw = r_total // _NW
    parts = _col_parts(k)
    npart = len(parts)
    units = rw * npart
    mesh = plsc.VectorSubcoreMesh(
        core_axis_name="c", subcore_axis_name="s",
        num_cores=_NC, num_subcores=_NS,
    )

    @functools.partial(
        pl.kernel,
        out_type=jax.ShapeDtypeStruct((r_total * k, d), jnp.float32),
        mesh=mesh,
        scratch_types=[pltpu.VMEM((rw, k), jnp.int32)]
        + [pltpu.VMEM((parts[u % npart][1], d), jnp.float32)
           for u in range(_NBUF)]
        + [pltpu.SemaphoreType.DMA] * (2 * _NBUF),
    )
    def lookup(ids_hbm, table_hbm, out_hbm, idx_v, *rest):
        bufs = rest[:_NBUF]
        gsem = rest[_NBUF:2 * _NBUF]
        ssem = rest[2 * _NBUF:]
        wid = lax.axis_index("s") * _NC + lax.axis_index("c")
        base = wid * rw * k
        pltpu.sync_copy(ids_hbm.at[pl.ds(wid * rw, rw)], idx_v)

        def gidx(u_off, g):
            off, w = parts[u_off % npart]
            return idx_v.at[(g + u_off) // npart, pl.ds(off, w)]

        def oslice(u_off, g):
            off, w = parts[u_off % npart]
            return out_hbm.at[
                pl.ds(base + ((g + u_off) // npart) * k + off, w)]

        for u in range(_AHEAD):
            pltpu.async_copy(table_hbm.at[gidx(u, 0)], bufs[u], gsem[u])

        @pl.loop(0, units, step=_NBUF)
        def _(g):
            for u in range(_NBUF):
                uj = u + _AHEAD
                bj = uj % _NBUF
                ju = g + uj

                @pl.when(ju < units)
                def _():
                    @pl.when(ju >= _NBUF)
                    def _():
                        pltpu.make_async_copy(
                            bufs[bj], oslice(uj - _NBUF, g), ssem[bj]).wait()

                    pltpu.async_copy(
                        table_hbm.at[gidx(uj, g)], bufs[bj], gsem[bj])

                pltpu.make_async_copy(
                    table_hbm.at[gidx(u, g)], bufs[u], gsem[u]).wait()
                pltpu.async_copy(bufs[u], oslice(u, g), ssem[u])

        for u in range(_NBUF):
            pltpu.make_async_copy(
                bufs[u], oslice(u, units - _NBUF), ssem[u]).wait()

    return lookup


@functools.lru_cache(maxsize=None)
def _make_lookup_flat(b_total: int, d: int):
    bpw = b_total // _NW
    nchunk = bpw // _C
    mesh = plsc.VectorSubcoreMesh(
        core_axis_name="c", subcore_axis_name="s",
        num_cores=_NC, num_subcores=_NS,
    )

    @functools.partial(
        pl.kernel,
        out_type=jax.ShapeDtypeStruct((b_total, d), jnp.float32),
        mesh=mesh,
        scratch_types=[pltpu.VMEM((nchunk, _C), jnp.int32)]
        + [pltpu.VMEM((_C, d), jnp.float32)] * _NBUF
        + [pltpu.SemaphoreType.DMA] * (2 * _NBUF),
    )
    def lookup(table_hbm, idx_hbm, out_hbm, idx_v, *rest):
        bufs = rest[:_NBUF]
        gsem = rest[_NBUF:2 * _NBUF]
        ssem = rest[2 * _NBUF:]
        wid = lax.axis_index("s") * _NC + lax.axis_index("c")
        base = wid * bpw
        pltpu.sync_copy(idx_hbm.at[wid], idx_v)

        for c in range(_AHEAD):
            pltpu.async_copy(table_hbm.at[idx_v.at[c]], bufs[c], gsem[c])

        @pl.loop(0, nchunk, step=_NBUF)
        def _(g):
            for u in range(_NBUF):
                c = g + u
                bj = (u + _AHEAD) % _NBUF
                j = c + _AHEAD

                @pl.when(j < nchunk)
                def _():
                    @pl.when(j >= _NBUF)
                    def _():
                        pltpu.make_async_copy(
                            bufs[bj],
                            out_hbm.at[pl.ds(base + (j - _NBUF) * _C, _C)],
                            ssem[bj]).wait()

                    pltpu.async_copy(
                        table_hbm.at[idx_v.at[j]], bufs[bj], gsem[bj])

                pltpu.make_async_copy(
                    table_hbm.at[idx_v.at[c]], bufs[u], gsem[u]).wait()
                pltpu.async_copy(
                    bufs[u], out_hbm.at[pl.ds(base + c * _C, _C)], ssem[u])

        for u in range(_NBUF):
            c_last = nchunk - _NBUF + u
            pltpu.make_async_copy(
                bufs[u], out_hbm.at[pl.ds(base + c_last * _C, _C)],
                ssem[u]).wait()

    return lookup


def kernel(input_ids, weight):
    orig_shape = input_ids.shape
    d = weight.shape[1]
    w32 = weight.astype(jnp.float32)
    if input_ids.dtype != jnp.int32:
        input_ids = input_ids.astype(jnp.int32)

    if len(orig_shape) == 2:
        r, k = orig_shape
        npart = len(_col_parts(k))
        if (r % _NW == 0 and k % 8 == 0 and _NBUF % npart == 0
                and ((r // _NW) * npart) % _NBUF == 0):
            out = _make_lookup_2d(r, k, d)(input_ids, w32)
            return jnp.reshape(out, orig_shape + (d,))

    flat = jnp.reshape(input_ids, (-1,))
    b = flat.shape[0]
    blk = _NW * _C * _NBUF
    b_pad = ((b + blk - 1) // blk) * blk
    if b_pad != b:
        flat = jnp.concatenate([flat, jnp.zeros((b_pad - b,), jnp.int32)])
    idx = jnp.reshape(flat, (_NW, b_pad // (_NW * _C), _C))
    out = _make_lookup_flat(b_pad, d)(w32, idx)
    if b_pad != b:
        out = out[:b]
    return jnp.reshape(out, orig_shape + (d,))

# --- scband reference (transcript-rebuilt; emitter-appended) ---
"""Pipeline reference for scband-tfalbert-word-embeddings-14199161880890 (READ-ONLY COPY).

The authoritative reference and input builder live on the scoring server;
editing this copy changes nothing except your own understanding.
"""

import jax, jax.numpy as jnp
import numpy as np

VOCAB_SIZE = 100000
HIDDEN_SIZE = 128
INITIALIZER_RANGE = 0.02


def setup_inputs(seed: int = 0) -> dict:
    key = jax.random.key(seed)
    k1, k2 = jax.random.split(key)
    input_ids = jax.random.randint(k1, (1024, 200), 0, VOCAB_SIZE, dtype=jnp.int64 if jax.config.jax_enable_x64 else jnp.int32)
    weight = jax.random.normal(k2, (VOCAB_SIZE, HIDDEN_SIZE), dtype=jnp.float32) * INITIALIZER_RANGE
    return {"input_ids": input_ids, "weight": weight}


def reference(input_ids, weight):
    # Faithful translation of TFAlbertWordEmbeddings.call:
    # flatten ids, gather rows from the embedding table, reshape back.
    orig_shape = input_ids.shape
    flat_input_ids = jnp.reshape(input_ids, (-1,))
    embeddings = jnp.take(weight, flat_input_ids, axis=0)
    embeddings = jnp.reshape(embeddings, orig_shape + (weight.shape[1],))
    return embeddings

if __name__ == "__main__":
    import jax
    _d = setup_inputs()
    print(jax.jit(kernel)(*tuple(_d.values())))

</pallas_src>

<mosaic_0001>
#map = affine_map<(d0, d1) -> (0, 0)>
module attributes {stable_mosaic.version = 14 : i64} {
  func.func @lookup(%arg0: i32, %arg1: i32, %arg2: memref<1024x200xi32, #tpu.memory_space<hbm>>, %arg3: memref<100000x128xf32, #tpu.memory_space<hbm>>, %arg4: memref<204800x128xf32, #tpu.memory_space<hbm>>, %arg5: memref<32x200xi32, #tpu.memory_space<vmem>>, %arg6: memref<128x128xf32, #tpu.memory_space<vmem>>, %arg7: memref<72x128xf32, #tpu.memory_space<vmem>>, %arg8: memref<128x128xf32, #tpu.memory_space<vmem>>, %arg9: memref<72x128xf32, #tpu.memory_space<vmem>>, %arg10: memref<128x128xf32, #tpu.memory_space<vmem>>, %arg11: memref<72x128xf32, #tpu.memory_space<vmem>>, %arg12: memref<128x128xf32, #tpu.memory_space<vmem>>, %arg13: memref<72x128xf32, #tpu.memory_space<vmem>>, %arg14: memref<!tpu.dma_semaphore, #tpu.memory_space<semaphore_mem>>, %arg15: memref<!tpu.dma_semaphore, #tpu.memory_space<semaphore_mem>>, %arg16: memref<!tpu.dma_semaphore, #tpu.memory_space<semaphore_mem>>, %arg17: memref<!tpu.dma_semaphore, #tpu.memory_space<semaphore_mem>>, %arg18: memref<!tpu.dma_semaphore, #tpu.memory_space<semaphore_mem>>, %arg19: memref<!tpu.dma_semaphore, #tpu.memory_space<semaphore_mem>>, %arg20: memref<!tpu.dma_semaphore, #tpu.memory_space<semaphore_mem>>, %arg21: memref<!tpu.dma_semaphore, #tpu.memory_space<semaphore_mem>>, %arg22: memref<!tpu.dma_semaphore, #tpu.memory_space<semaphore_mem>>, %arg23: memref<!tpu.dma_semaphore, #tpu.memory_space<semaphore_mem>>, %arg24: memref<!tpu.dma_semaphore, #tpu.memory_space<semaphore_mem>>, %arg25: memref<!tpu.dma_semaphore, #tpu.memory_space<semaphore_mem>>, %arg26: memref<!tpu.dma_semaphore, #tpu.memory_space<semaphore_mem>>, %arg27: memref<!tpu.dma_semaphore, #tpu.memory_space<semaphore_mem>>, %arg28: memref<!tpu.dma_semaphore, #tpu.memory_space<semaphore_mem>>, %arg29: memref<!tpu.dma_semaphore, #tpu.memory_space<semaphore_mem>>) attributes {dimension_semantics = [#tpu.dimension_semantics<core_parallel>, #tpu.dimension_semantics<subcore_parallel>], iteration_bounds = array<i64: 2, 16>, scalar_prefetch = 0 : i64, scratch_operands = 25 : i64, tpu.core_type = #tpu.core_type<sc_vector_subcore>, window_params = [{transform_indices = #map}, {transform_indices = #map}, {transform_indices = #map}]} {
    %mul3A = arith.constant 2 : i32
    %mul3A_0 = arith.muli %arg1, %mul3A : i32
    %add3A = arith.addi %mul3A_0, %arg0 : i32
    %mul3A_1 = arith.constant 32 : i32
    %mul3A_2 = arith.muli %add3A, %mul3A_1 : i32
    %mul3A_3 = arith.constant 200 : i32
    %mul3A_4 = arith.muli %mul3A_2, %mul3A_3 : i32
    %mul3A_5 = arith.constant 32 : i32
    %mul3A_6 = arith.muli %add3A, %mul3A_5 : i32
    "tpu.region"() ({
      %run_scoped3A = tpu.sem_alloc : memref<!tpu.dma_semaphore, #tpu.memory_space<semaphore_mem>>
      %dma_start3A_115 = arith.constant 0 : i32
      %dma_start3A_116 = tpu.memref_slice %arg2[%mul3A_6, %dma_start3A_115] : memref<1024x200xi32, #tpu.memory_space<hbm>> -> memref<32x200xi32, #tpu.memory_space<hbm>>
      %dma_start3A_117 = arith.constant 0 : i32
      %dma_start3A_118 = tpu.memref_slice %arg2[%mul3A_6, %dma_start3A_117] : memref<1024x200xi32, #tpu.memory_space<hbm>> -> memref<32x200xi32, #tpu.memory_space<hbm>>
      tpu.enqueue_dma source(%dma_start3A_118 : memref<32x200xi32, #tpu.memory_space<hbm>>) target(%arg5 : memref<32x200xi32, #tpu.memory_space<vmem>>) target_semaphore(%run_scoped3A : memref<!tpu.dma_semaphore, #tpu.memory_space<semaphore_mem>>)
      %dma_wait3A_119 = arith.constant 0 : i32
      %dma_wait3A_120 = tpu.memref_slice %arg2[%mul3A_6, %dma_wait3A_119] : memref<1024x200xi32, #tpu.memory_space<hbm>> -> memref<32x200xi32, #tpu.memory_space<hbm>>
      %dma_wait3A_121 = arith.constant 0 : i32
      %dma_wait3A_122 = tpu.memref_slice %arg2[%mul3A_6, %dma_wait3A_121] : memref<1024x200xi32, #tpu.memory_space<hbm>> -> memref<32x200xi32, #tpu.memory_space<hbm>>
      tpu.wait_dma2 semaphore(%run_scoped3A : memref<!tpu.dma_semaphore, #tpu.memory_space<semaphore_mem>>) src(%dma_wait3A_122 : memref<32x200xi32, #tpu.memory_space<hbm>>) dst(%arg5 : memref<32x200xi32, #tpu.memory_space<vmem>>)
      tpu.yield
    }) : () -> ()
    %dma_start3A = arith.constant 0 : i32
    %dma_start3A_7 = arith.constant 0 : i32
    %dma_start3A_8 = tpu.memref_slice %arg5[%dma_start3A, %dma_start3A_7] : memref<32x200xi32, #tpu.memory_space<vmem>> -> memref<1x128xi32, #tpu.memory_space<vmem>>
    %dma_start3A_9 = tpu.memref_squeeze %dma_start3A_8 : memref<1x128xi32, #tpu.memory_space<vmem>> -> memref<128xi32, #tpu.memory_space<vmem>>
    %dma_start3A_10 = arith.constant 0 : i32
    %dma_start3A_11 = arith.constant 0 : i32
    %dma_start3A_12 = tpu.memref_slice %arg3[%dma_start3A_10, %dma_start3A_11] : memref<100000x128xf32, #tpu.memory_space<hbm>> -> memref<100000x128xf32, #tpu.memory_space<hbm>>
    tpu.enqueue_indirect_dma source(%dma_start3A_12 : memref<100000x128xf32, #tpu.memory_space<hbm>>) target(%arg6 : memref<128x128xf32, #tpu.memory_space<vmem>>) offsets(%dma_start3A_9 : memref<128xi32, #tpu.memory_space<vmem>>) semaphore(%arg14 : memref<!tpu.dma_semaphore, #tpu.memory_space<semaphore_mem>>)
    %dma_start3A_13 = arith.constant 0 : i32
    %dma_start3A_14 = arith.constant 128 : i32
    %dma_start3A_15 = tpu.memref_slice %arg5[%dma_start3A_13, %dma_start3A_14] : memref<32x200xi32, #tpu.memory_space<vmem>> -> memref<1x72xi32, #tpu.memory_space<vmem>>
    %dma_start3A_16 = tpu.memref_squeeze %dma_start3A_15 : memref<1x72xi32, #tpu.memory_space<vmem>> -> memref<72xi32, #tpu.memory_space<vmem>>
    %dma_start3A_17 = arith.constant 0 : i32
    %dma_start3A_18 = arith.constant 0 : i32
    %dma_start3A_19 = tpu.memref_slice %arg3[%dma_start3A_17, %dma_start3A_18] : memref<100000x128xf32, #tpu.memory_space<hbm>> -> memref<100000x128xf32, #tpu.memory_space<hbm>>
    tpu.enqueue_indirect_dma source(%dma_start3A_19 : memref<100000x128xf32, #tpu.memory_space<hbm>>) target(%arg7 : memref<72x128xf32, #tpu.memory_space<vmem>>) offsets(%dma_start3A_16 : memref<72xi32, #tpu.memory_space<vmem>>) semaphore(%arg15 : memref<!tpu.dma_semaphore, #tpu.memory_space<semaphore_mem>>)
    %dma_start3A_20 = arith.constant 1 : i32
    %dma_start3A_21 = arith.constant 0 : i32
    %dma_start3A_22 = tpu.memref_slice %arg5[%dma_start3A_20, %dma_start3A_21] : memref<32x200xi32, #tpu.memory_space<vmem>> -> memref<1x128xi32, #tpu.memory_space<vmem>>
    %dma_start3A_23 = tpu.memref_squeeze %dma_start3A_22 : memref<1x128xi32, #tpu.memory_space<vmem>> -> memref<128xi32, #tpu.memory_space<vmem>>
    %dma_start3A_24 = arith.constant 0 : i32
    %dma_start3A_25 = arith.constant 0 : i32
    %dma_start3A_26 = tpu.memref_slice %arg3[%dma_start3A_24, %dma_start3A_25] : memref<100000x128xf32, #tpu.memory_space<hbm>> -> memref<100000x128xf32, #tpu.memory_space<hbm>>
    tpu.enqueue_indirect_dma source(%dma_start3A_26 : memref<100000x128xf32, #tpu.memory_space<hbm>>) target(%arg8 : memref<128x128xf32, #tpu.memory_space<vmem>>) offsets(%dma_start3A_23 : memref<128xi32, #tpu.memory_space<vmem>>) semaphore(%arg16 : memref<!tpu.dma_semaphore, #tpu.memory_space<semaphore_mem>>)
    %dma_start3A_27 = arith.constant 1 : i32
    %dma_start3A_28 = arith.constant 128 : i32
    %dma_start3A_29 = tpu.memref_slice %arg5[%dma_start3A_27, %dma_start3A_28] : memref<32x200xi32, #tpu.memory_space<vmem>> -> memref<1x72xi32, #tpu.memory_space<vmem>>
    %dma_start3A_30 = tpu.memref_squeeze %dma_start3A_29 : memref<1x72xi32, #tpu.memory_space<vmem>> -> memref<72xi32, #tpu.memory_space<vmem>>
    %dma_start3A_31 = arith.constant 0 : i32
    %dma_start3A_32 = arith.constant 0 : i32
    %dma_start3A_33 = tpu.memref_slice %arg3[%dma_start3A_31, %dma_start3A_32] : memref<100000x128xf32, #tpu.memory_space<hbm>> -> memref<100000x128xf32, #tpu.memory_space<hbm>>
    tpu.enqueue_indirect_dma source(%dma_start3A_33 : memref<100000x128xf32, #tpu.memory_space<hbm>>) target(%arg9 : memref<72x128xf32, #tpu.memory_space<vmem>>) offsets(%dma_start3A_30 : memref<72xi32, #tpu.memory_space<vmem>>) semaphore(%arg17 : memref<!tpu.dma_semaphore, #tpu.memory_space<semaphore_mem>>)
    %dma_start3A_34 = arith.constant 2 : i32
    %dma_start3A_35 = arith.constant 0 : i32
    %dma_start3A_36 = tpu.memref_slice %arg5[%dma_start3A_34, %dma_start3A_35] : memref<32x200xi32, #tpu.memory_space<vmem>> -> memref<1x128xi32, #tpu.memory_space<vmem>>
    %dma_start3A_37 = tpu.memref_squeeze %dma_start3A_36 : memref<1x128xi32, #tpu.memory_space<vmem>> -> memref<128xi32, #tpu.memory_space<vmem>>
    %dma_start3A_38 = arith.constant 0 : i32
    %dma_start3A_39 = arith.constant 0 : i32
    %dma_start3A_40 = tpu.memref_slice %arg3[%dma_start3A_38, %dma_start3A_39] : memref<100000x128xf32, #tpu.memory_space<hbm>> -> memref<100000x128xf32, #tpu.memory_space<hbm>>
    tpu.enqueue_indirect_dma source(%dma_start3A_40 : memref<100000x128xf32, #tpu.memory_space<hbm>>) target(%arg10 : memref<128x128xf32, #tpu.memory_space<vmem>>) offsets(%dma_start3A_37 : memref<128xi32, #tpu.memory_space<vmem>>) semaphore(%arg18 : memref<!tpu.dma_semaphore, #tpu.memory_space<semaphore_mem>>)
    %dma_start3A_41 = arith.constant 2 : i32
    %dma_start3A_42 = arith.constant 128 : i32
    %dma_start3A_43 = tpu.memref_slice %arg5[%dma_start3A_41, %dma_start3A_42] : memref<32x200xi32, #tpu.memory_space<vmem>> -> memref<1x72xi32, #tpu.memory_space<vmem>>
    %dma_start3A_44 = tpu.memref_squeeze %dma_start3A_43 : memref<1x72xi32, #tpu.memory_space<vmem>> -> memref<72xi32, #tpu.memory_space<vmem>>
    %dma_start3A_45 = arith.constant 0 : i32
    %dma_start3A_46 = arith.constant 0 : i32
    %dma_start3A_47 = tpu.memref_slice %arg3[%dma_start3A_45, %dma_start3A_46] : memref<100000x128xf32, #tpu.memory_space<hbm>> -> memref<100000x128xf32, #tpu.memory_space<hbm>>
    tpu.enqueue_indirect_dma source(%dma_start3A_47 : memref<100000x128xf32, #tpu.memory_space<hbm>>) target(%arg11 : memref<72x128xf32, #tpu.memory_space<vmem>>) offsets(%dma_start3A_44 : memref<72xi32, #tpu.memory_space<vmem>>) semaphore(%arg19 : memref<!tpu.dma_semaphore, #tpu.memory_space<semaphore_mem>>)
    %scan3A = arith.constant 0 : i32
    %scan3A_48 = arith.constant 8 : i32
    %scan3A_49 = arith.addi %scan3A, %scan3A_48 : i32
    %scan3A_50 = arith.constant 1 : i32
    scf.for %scan3A_115 = %scan3A to %scan3A_49 step %scan3A_50  : i32 {
      %mul3A_116 = arith.constant 8 : i32
      %mul3A_117 = arith.muli %scan3A_115, %mul3A_116 : i32
      %add3A_118 = arith.constant 0 : i32
      %add3A_119 = arith.addi %add3A_118, %mul3A_117 : i32
      %add3A_120 = arith.constant 6 : i32
      %add3A_121 = arith.addi %add3A_119, %add3A_120 : i32
      %lt3A = arith.constant 64 : i32
      %lt3A_122 = arith.cmpi slt, %add3A_121, %lt3A : i32
      %convert_element_type3A = arith.extui %lt3A_122 : i1 to i32
      %cond3A = arith.constant 0 : i32
      %cond3A_123 = arith.cmpi ne, %convert_element_type3A, %cond3A : i32
      scf.if %cond3A_123 {
        %ge3A = arith.constant 8 : i32
        %ge3A_701 = arith.cmpi sge, %add3A_121, %ge3A : i32
        %convert_element_type3A_702 = arith.extui %ge3A_701 : i1 to i32
        %cond3A_703 = arith.constant 0 : i32
        %cond3A_704 = arith.cmpi ne, %convert_element_type3A_702, %cond3A_703 : i32
        scf.if %cond3A_704 {
          %add3A_737 = arith.constant -2 : i32
          %add3A_738 = arith.addi %add3A_119, %add3A_737 : i32
          %jit3A_739 = arith.constant 2 : i32
          %div3A_740 = arith.divsi %add3A_738, %jit3A_739 : i32
          %sign3A_741 = arith.constant 0 : i32
          %sign3A_742 = arith.cmpi sgt, %add3A_738, %sign3A_741 : i32
          %sign3A_743 = arith.extui %sign3A_742 : i1 to i32
          %sign3A_744 = arith.constant 0 : i32
          %sign3A_745 = arith.cmpi slt, %add3A_738, %sign3A_744 : i32
          %sign3A_746 = arith.extui %sign3A_745 : i1 to i32
          %sign3A_747 = arith.subi %sign3A_743, %sign3A_746 : i32
          %sign3A_748 = arith.constant 0 : i32
          %sign3A_749 = arith.cmpi sgt, %jit3A_739, %sign3A_748 : i32
          %sign3A_750 = arith.extui %sign3A_749 : i1 to i32
          %sign3A_751 = arith.constant 0 : i32
          %sign3A_752 = arith.cmpi slt, %jit3A_739, %sign3A_751 : i32
          %sign3A_753 = arith.extui %sign3A_752 : i1 to i32
          %sign3A_754 = arith.subi %sign3A_750, %sign3A_753 : i32
          %ne3A_755 = arith.cmpi ne, %sign3A_747, %sign3A_754 : i32
          %rem3A_756 = arith.remsi %add3A_738, %jit3A_739 : i32
          %ne3A_757 = arith.constant 0 : i32
          %ne3A_758 = arith.cmpi ne, %rem3A_756, %ne3A_757 : i32
          %and3A_759 = arith.andi %ne3A_755, %ne3A_758 : i1
          %sub3A_760 = arith.constant 1 : i32
          %sub3A_761 = arith.subi %div3A_740, %sub3A_760 : i32
          %select_n3A_762 = arith.select %and3A_759, %sub3A_761, %div3A_740 : i32
          %mul3A_763 = arith.constant 200 : i32
          %mul3A_764 = arith.muli %select_n3A_762, %mul3A_763 : i32
          %add3A_765 = arith.addi %mul3A_4, %mul3A_764 : i32
          %add3A_766 = arith.constant 0 : i32
          %add3A_767 = arith.addi %add3A_765, %add3A_766 : i32
          %dma_wait3A_768 = arith.constant 0 : i32
          %dma_wait3A_769 = tpu.memref_slice %arg4[%add3A_767, %dma_wait3A_768] : memref<204800x128xf32, #tpu.memory_space<hbm>> -> memref<128x128xf32, #tpu.memory_space<hbm>>
          %dma_wait3A_770 = arith.constant 0 : i32
          %dma_wait3A_771 = tpu.memref_slice %arg4[%add3A_767, %dma_wait3A_770] : memref<204800x128xf32, #tpu.memory_space<hbm>> -> memref<128x128xf32, #tpu.memory_space<hbm>>
          tpu.wait_dma2 semaphore(%arg28 : memref<!tpu.dma_semaphore, #tpu.memory_space<semaphore_mem>>) src(%arg12 : memref<128x128xf32, #tpu.memory_space<vmem>>) dst(%dma_wait3A_771 : memref<128x128xf32, #tpu.memory_space<hbm>>)
        } else {
        }
        %add3A_705 = arith.constant 6 : i32
        %add3A_706 = arith.addi %add3A_119, %add3A_705 : i32
        %jit3A_707 = arith.constant 2 : i32
        %div3A_708 = arith.divsi %add3A_706, %jit3A_707 : i32
        %sign3A_709 = arith.constant 0 : i32
        %sign3A_710 = arith.cmpi sgt, %add3A_706, %sign3A_709 : i32
        %sign3A_711 = arith.extui %sign3A_710 : i1 to i32
        %sign3A_712 = arith.constant 0 : i32
        %sign3A_713 = arith.cmpi slt, %add3A_706, %sign3A_712 : i32
        %sign3A_714 = arith.extui %sign3A_713 : i1 to i32
        %sign3A_715 = arith.subi %sign3A_711, %sign3A_714 : i32
        %sign3A_716 = arith.constant 0 : i32
        %sign3A_717 = arith.cmpi sgt, %jit3A_707, %sign3A_716 : i32
        %sign3A_718 = arith.extui %sign3A_717 : i1 to i32
        %sign3A_719 = arith.constant 0 : i32
        %sign3A_720 = arith.cmpi slt, %jit3A_707, %sign3A_719 : i32
        %sign3A_721 = arith.extui %sign3A_720 : i1 to i32
        %sign3A_722 = arith.subi %sign3A_718, %sign3A_721 : i32
        %ne3A_723 = arith.cmpi ne, %sign3A_715, %sign3A_722 : i32
        %rem3A_724 = arith.remsi %add3A_706, %jit3A_707 : i32
        %ne3A_725 = arith.constant 0 : i32
        %ne3A_726 = arith.cmpi ne, %rem3A_724, %ne3A_725 : i32
        %and3A_727 = arith.andi %ne3A_723, %ne3A_726 : i1
        %sub3A_728 = arith.constant 1 : i32
        %sub3A_729 = arith.subi %div3A_708, %sub3A_728 : i32
        %select_n3A_730 = arith.select %and3A_727, %sub3A_729, %div3A_708 : i32
        %dma_start3A_731 = arith.constant 0 : i32
        %dma_start3A_732 = tpu.memref_slice %arg5[%select_n3A_730, %dma_start3A_731] : memref<32x200xi32, #tpu.memory_space<vmem>> -> memref<1x128xi32, #tpu.memory_space<vmem>>
        %dma_start3A_733 = tpu.memref_squeeze %dma_start3A_732 : memref<1x128xi32, #tpu.memory_space<vmem>> -> memref<128xi32, #tpu.memory_space<vmem>>
        %dma_start3A_734 = arith.constant 0 : i32
        %dma_start3A_735 = arith.constant 0 : i32
        %dma_start3A_736 = tpu.memref_slice %arg3[%dma_start3A_734, %dma_start3A_735] : memref<100000x128xf32, #tpu.memory_space<hbm>> -> memref<100000x128xf32, #tpu.memory_space<hbm>>
        tpu.enqueue_indirect_dma source(%dma_start3A_736 : memref<100000x128xf32, #tpu.memory_space<hbm>>) target(%arg12 : memref<128x128xf32, #tpu.memory_space<vmem>>) offsets(%dma_start3A_733 : memref<128xi32, #tpu.memory_space<vmem>>) semaphore(%arg20 : memref<!tpu.dma_semaphore, #tpu.memory_space<semaphore_mem>>)
      } else {
      }
      %add3A_124 = arith.constant 0 : i32
      %add3A_125 = arith.addi %add3A_119, %add3A_124 : i32
      %jit3A = arith.constant 2 : i32
      %div3A = arith.divsi %add3A_125, %jit3A : i32
      %sign3A = arith.constant 0 : i32
      %sign3A_126 = arith.cmpi sgt, %add3A_125, %sign3A : i32
      %sign3A_127 = arith.extui %sign3A_126 : i1 to i32
      %sign3A_128 = arith.constant 0 : i32
      %sign3A_129 = arith.cmpi slt, %add3A_125, %sign3A_128 : i32
      %sign3A_130 = arith.extui %sign3A_129 : i1 to i32
      %sign3A_131 = arith.subi %sign3A_127, %sign3A_130 : i32
      %sign3A_132 = arith.constant 0 : i32
      %sign3A_133 = arith.cmpi sgt, %jit3A, %sign3A_132 : i32
      %sign3A_134 = arith.extui %sign3A_133 : i1 to i32
      %sign3A_135 = arith.constant 0 : i32
      %sign3A_136 = arith.cmpi slt, %jit3A, %sign3A_135 : i32
      %sign3A_137 = arith.extui %sign3A_136 : i1 to i32
      %sign3A_138 = arith.subi %sign3A_134, %sign3A_137 : i32
      %ne3A = arith.cmpi ne, %sign3A_131, %sign3A_138 : i32
      %rem3A = arith.remsi %add3A_125, %jit3A : i32
      %ne3A_139 = arith.constant 0 : i32
      %ne3A_140 = arith.cmpi ne, %rem3A, %ne3A_139 : i32
      %and3A = arith.andi %ne3A, %ne3A_140 : i1
      %sub3A = arith.constant 1 : i32
      %sub3A_141 = arith.subi %div3A, %sub3A : i32
      %select_n3A = arith.select %and3A, %sub3A_141, %div3A : i32
      %dma_wait3A_142 = arith.constant 0 : i32
      %dma_wait3A_143 = tpu.memref_slice %arg5[%select_n3A, %dma_wait3A_142] : memref<32x200xi32, #tpu.memory_space<vmem>> -> memref<1x128xi32, #tpu.memory_space<vmem>>
      %dma_wait3A_144 = tpu.memref_squeeze %dma_wait3A_143 : memref<1x128xi32, #tpu.memory_space<vmem>> -> memref<128xi32, #tpu.memory_space<vmem>>
      %dma_wait3A_145 = arith.constant 0 : i32
      %dma_wait3A_146 = arith.constant 0 : i32
      %dma_wait3A_147 = tpu.memref_slice %arg3[%dma_wait3A_145, %dma_wait3A_146] : memref<100000x128xf32, #tpu.memory_space<hbm>> -> memref<100000x128xf32, #tpu.memory_space<hbm>>
      tpu.wait_indirect_dma semaphore(%arg14 : memref<!tpu.dma_semaphore, #tpu.memory_space<semaphore_mem>>) src(%dma_wait3A_147 : memref<100000x128xf32, #tpu.memory_space<hbm>>) dst(%arg6 : memref<128x128xf32, #tpu.memory_space<vmem>>)
      %add3A_148 = arith.constant 0 : i32
      %add3A_149 = arith.addi %add3A_119, %add3A_148 : i32
      %jit3A_150 = arith.constant 2 : i32
      %div3A_151 = arith.divsi %add3A_149, %jit3A_150 : i32
      %sign3A_152 = arith.constant 0 : i32
      %sign3A_153 = arith.cmpi sgt, %add3A_149, %sign3A_152 : i32
      %sign3A_154 = arith.extui %sign3A_153 : i1 to i32
      %sign3A_155 = arith.constant 0 : i32
      %sign3A_156 = arith.cmpi slt, %add3A_149, %sign3A_155 : i32
      %sign3A_157 = arith.extui %sign3A_156 : i1 to i32
      %sign3A_158 = arith.subi %sign3A_154, %sign3A_157 : i32
      %sign3A_159 = arith.constant 0 : i32
      %sign3A_160 = arith.cmpi sgt, %jit3A_150, %sign3A_159 : i32
      %sign3A_161 = arith.extui %sign3A_160 : i1 to i32
      %sign3A_162 = arith.constant 0 : i32
      %sign3A_163 = arith.cmpi slt, %jit3A_150, %sign3A_162 : i32
      %sign3A_164 = arith.extui %sign3A_163 : i1 to i32
      %sign3A_165 = arith.subi %sign3A_161, %sign3A_164 : i32
      %ne3A_166 = arith.cmpi ne, %sign3A_158, %sign3A_165 : i32
      %rem3A_167 = arith.remsi %add3A_149, %jit3A_150 : i32
      %ne3A_168 = arith.constant 0 : i32
      %ne3A_169 = arith.cmpi ne, %rem3A_167, %ne3A_168 : i32
      %and3A_170 = arith.andi %ne3A_166, %ne3A_169 : i1
      %sub3A_171 = arith.constant 1 : i32
      %sub3A_172 = arith.subi %div3A_151, %sub3A_171 : i32
      %select_n3A_173 = arith.select %and3A_170, %sub3A_172, %div3A_151 : i32
      %mul3A_174 = arith.constant 200 : i32
      %mul3A_175 = arith.muli %select_n3A_173, %mul3A_174 : i32
      %add3A_176 = arith.addi %mul3A_4, %mul3A_175 : i32
      %add3A_177 = arith.constant 0 : i32
      %add3A_178 = arith.addi %add3A_176, %add3A_177 : i32
      %dma_start3A_179 = arith.constant 0 : i32
      %dma_start3A_180 = tpu.memref_slice %arg4[%add3A_178, %dma_start3A_179] : memref<204800x128xf32, #tpu.memory_space<hbm>> -> memref<128x128xf32, #tpu.memory_space<hbm>>
      %dma_start3A_181 = arith.constant 0 : i32
      %dma_start3A_182 = tpu.memref_slice %arg4[%add3A_178, %dma_start3A_181] : memref<204800x128xf32, #tpu.memory_space<hbm>> -> memref<128x128xf32, #tpu.memory_space<hbm>>
      tpu.enqueue_dma source(%arg6 : memref<128x128xf32, #tpu.memory_space<vmem>>) target(%dma_start3A_182 : memref<128x128xf32, #tpu.memory_space<hbm>>) target_semaphore(%arg22 : memref<!tpu.dma_semaphore, #tpu.memory_space<semaphore_mem>>)
      %add3A_183 = arith.constant 7 : i32
      %add3A_184 = arith.addi %add3A_119, %add3A_183 : i32
      %lt3A_185 = arith.constant 64 : i32
      %lt3A_186 = arith.cmpi slt, %add3A_184, %lt3A_185 : i32
      %convert_element_type3A_187 = arith.extui %lt3A_186 : i1 to i32
      %cond3A_188 = arith.constant 0 : i32
      %cond3A_189 = arith.cmpi ne, %convert_element_type3A_187, %cond3A_188 : i32
      scf.if %cond3A_189 {
        %ge3A = arith.constant 8 : i32
        %ge3A_701 = arith.cmpi sge, %add3A_184, %ge3A : i32
        %convert_element_type3A_702 = arith.extui %ge3A_701 : i1 to i32
        %cond3A_703 = arith.constant 0 : i32
        %cond3A_704 = arith.cmpi ne, %convert_element_type3A_702, %cond3A_703 : i32
        scf.if %cond3A_704 {
          %add3A_737 = arith.constant -1 : i32
          %add3A_738 = arith.addi %add3A_119, %add3A_737 : i32
          %jit3A_739 = arith.constant 2 : i32
          %div3A_740 = arith.divsi %add3A_738, %jit3A_739 : i32
          %sign3A_741 = arith.constant 0 : i32
          %sign3A_742 = arith.cmpi sgt, %add3A_738, %sign3A_741 : i32
          %sign3A_743 = arith.extui %sign3A_742 : i1 to i32
          %sign3A_744 = arith.constant 0 : i32
          %sign3A_745 = arith.cmpi slt, %add3A_738, %sign3A_744 : i32
          %sign3A_746 = arith.extui %sign3A_745 : i1 to i32
          %sign3A_747 = arith.subi %sign3A_743, %sign3A_746 : i32
          %sign3A_748 = arith.constant 0 : i32
          %sign3A_749 = arith.cmpi sgt, %jit3A_739, %sign3A_748 : i32
          %sign3A_750 = arith.extui %sign3A_749 : i1 to i32
          %sign3A_751 = arith.constant 0 : i32
          %sign3A_752 = arith.cmpi slt, %jit3A_739, %sign3A_751 : i32
          %sign3A_753 = arith.extui %sign3A_752 : i1 to i32
          %sign3A_754 = arith.subi %sign3A_750, %sign3A_753 : i32
          %ne3A_755 = arith.cmpi ne, %sign3A_747, %sign3A_754 : i32
          %rem3A_756 = arith.remsi %add3A_738, %jit3A_739 : i32
          %ne3A_757 = arith.constant 0 : i32
          %ne3A_758 = arith.cmpi ne, %rem3A_756, %ne3A_757 : i32
          %and3A_759 = arith.andi %ne3A_755, %ne3A_758 : i1
          %sub3A_760 = arith.constant 1 : i32
          %sub3A_761 = arith.subi %div3A_740, %sub3A_760 : i32
          %select_n3A_762 = arith.select %and3A_759, %sub3A_761, %div3A_740 : i32
          %mul3A_763 = arith.constant 200 : i32
          %mul3A_764 = arith.muli %select_n3A_762, %mul3A_763 : i32
          %add3A_765 = arith.addi %mul3A_4, %mul3A_764 : i32
          %add3A_766 = arith.constant 128 : i32
          %add3A_767 = arith.addi %add3A_765, %add3A_766 : i32
          %dma_wait3A_768 = arith.constant 0 : i32
          %dma_wait3A_769 = tpu.memref_slice %arg4[%add3A_767, %dma_wait3A_768] : memref<204800x128xf32, #tpu.memory_space<hbm>> -> memref<72x128xf32, #tpu.memory_space<hbm>>
          %dma_wait3A_770 = arith.constant 0 : i32
          %dma_wait3A_771 = tpu.memref_slice %arg4[%add3A_767, %dma_wait3A_770] : memref<204800x128xf32, #tpu.memory_space<hbm>> -> memref<72x128xf32, #tpu.memory_space<hbm>>
          tpu.wait_dma2 semaphore(%arg29 : memref<!tpu.dma_semaphore, #tpu.memory_space<semaphore_mem>>) src(%arg13 : memref<72x128xf32, #tpu.memory_space<vmem>>) dst(%dma_wait3A_771 : memref<72x128xf32, #tpu.memory_space<hbm>>)
        } else {
        }
        %add3A_705 = arith.constant 7 : i32
        %add3A_706 = arith.addi %add3A_119, %add3A_705 : i32
        %jit3A_707 = arith.constant 2 : i32
        %div3A_708 = arith.divsi %add3A_706, %jit3A_707 : i32
        %sign3A_709 = arith.constant 0 : i32
        %sign3A_710 = arith.cmpi sgt, %add3A_706, %sign3A_709 : i32
        %sign3A_711 = arith.extui %sign3A_710 : i1 to i32
        %sign3A_712 = arith.constant 0 : i32
        %sign3A_713 = arith.cmpi slt, %add3A_706, %sign3A_712 : i32
        %sign3A_714 = arith.extui %sign3A_713 : i1 to i32
        %sign3A_715 = arith.subi %sign3A_711, %sign3A_714 : i32
        %sign3A_716 = arith.constant 0 : i32
        %sign3A_717 = arith.cmpi sgt, %jit3A_707, %sign3A_716 : i32
        %sign3A_718 = arith.extui %sign3A_717 : i1 to i32
        %sign3A_719 = arith.constant 0 : i32
        %sign3A_720 = arith.cmpi slt, %jit3A_707, %sign3A_719 : i32
        %sign3A_721 = arith.extui %sign3A_720 : i1 to i32
        %sign3A_722 = arith.subi %sign3A_718, %sign3A_721 : i32
        %ne3A_723 = arith.cmpi ne, %sign3A_715, %sign3A_722 : i32
        %rem3A_724 = arith.remsi %add3A_706, %jit3A_707 : i32
        %ne3A_725 = arith.constant 0 : i32
        %ne3A_726 = arith.cmpi ne, %rem3A_724, %ne3A_725 : i32
        %and3A_727 = arith.andi %ne3A_723, %ne3A_726 : i1
        %sub3A_728 = arith.constant 1 : i32
        %sub3A_729 = arith.subi %div3A_708, %sub3A_728 : i32
        %select_n3A_730 = arith.select %and3A_727, %sub3A_729, %div3A_708 : i32
        %dma_start3A_731 = arith.constant 128 : i32
        %dma_start3A_732 = tpu.memref_slice %arg5[%select_n3A_730, %dma_start3A_731] : memref<32x200xi32, #tpu.memory_space<vmem>> -> memref<1x72xi32, #tpu.memory_space<vmem>>
        %dma_start3A_733 = tpu.memref_squeeze %dma_start3A_732 : memref<1x72xi32, #tpu.memory_space<vmem>> -> memref<72xi32, #tpu.memory_space<vmem>>
        %dma_start3A_734 = arith.constant 0 : i32
        %dma_start3A_735 = arith.constant 0 : i32
        %dma_start3A_736 = tpu.memref_slice %arg3[%dma_start3A_734, %dma_start3A_735] : memref<100000x128xf32, #tpu.memory_space<hbm>> -> memref<100000x128xf32, #tpu.memory_space<hbm>>
        tpu.enqueue_indirect_dma source(%dma_start3A_736 : memref<100000x128xf32, #tpu.memory_space<hbm>>) target(%arg13 : memref<72x128xf32, #tpu.memory_space<vmem>>) offsets(%dma_start3A_733 : memref<72xi32, #tpu.memory_space<vmem>>) semaphore(%arg21 : memref<!tpu.dma_semaphore, #tpu.memory_space<semaphore_mem>>)
      } else {
      }
      %add3A_190 = arith.constant 1 : i32
      %add3A_191 = arith.addi %add3A_119, %add3A_190 : i32
      %jit3A_192 = arith.constant 2 : i32
      %div3A_193 = arith.divsi %add3A_191, %jit3A_192 : i32
      %sign3A_194 = arith.constant 0 : i32
      %sign3A_195 = arith.cmpi sgt, %add3A_191, %sign3A_194 : i32
      %sign3A_196 = arith.extui %sign3A_195 : i1 to i32
      %sign3A_197 = arith.constant 0 : i32
      %sign3A_198 = arith.cmpi slt, %add3A_191, %sign3A_197 : i32
      %sign3A_199 = arith.extui %sign3A_198 : i1 to i32
      %sign3A_200 = arith.subi %sign3A_196, %sign3A_199 : i32
      %sign3A_201 = arith.constant 0 : i32
      %sign3A_202 = arith.cmpi sgt, %jit3A_192, %sign3A_201 : i32
      %sign3A_203 = arith.extui %sign3A_202 : i1 to i32
      %sign3A_204 = arith.constant 0 : i32
      %sign3A_205 = arith.cmpi slt, %jit3A_192, %sign3A_204 : i32
      %sign3A_206 = arith.extui %sign3A_205 : i1 to i32
      %sign3A_207 = arith.subi %sign3A_203, %sign3A_206 : i32
      %ne3A_208 = arith.cmpi ne, %sign3A_200, %sign3A_207 : i32
      %rem3A_209 = arith.remsi %add3A_191, %jit3A_192 : i32
      %ne3A_210 = arith.constant 0 : i32
      %ne3A_211 = arith.cmpi ne, %rem3A_209, %ne3A_210 : i32
      %and3A_212 = arith.andi %ne3A_208, %ne3A_211 : i1
      %sub3A_213 = arith.constant 1 : i32
      %sub3A_214 = arith.subi %div3A_193, %sub3A_213 : i32
      %select_n3A_215 = arith.select %and3A_212, %sub3A_214, %div3A_193 : i32
      %dma_wait3A_216 = arith.constant 128 : i32
      %dma_wait3A_217 = tpu.memref_slice %arg5[%select_n3A_215, %dma_wait3A_216] : memref<32x200xi32, #tpu.memory_space<vmem>> -> memref<1x72xi32, #tpu.memory_space<vmem>>
      %dma_wait3A_218 = tpu.memref_squeeze %dma_wait3A_217 : memref<1x72xi32, #tpu.memory_space<vmem>> -> memref<72xi32, #tpu.memory_space<vmem>>
      %dma_wait3A_219 = arith.constant 0 : i32
      %dma_wait3A_220 = arith.constant 0 : i32
      %dma_wait3A_221 = tpu.memref_slice %arg3[%dma_wait3A_219, %dma_wait3A_220] : memref<100000x128xf32, #tpu.memory_space<hbm>> -> memref<100000x128xf32, #tpu.memory_space<hbm>>
      tpu.wait_indirect_dma semaphore(%arg15 : memref<!tpu.dma_semaphore, #tpu.memory_space<semaphore_mem>>) src(%dma_wait3A_221 : memref<100000x128xf32, #tpu.memory_space<hbm>>) dst(%arg7 : memref<72x128xf32, #tpu.memory_space<vmem>>)
      %add3A_222 = arith.constant 1 : i32
      %add3A_223 = arith.addi %add3A_119, %add3A_222 : i32
      %jit3A_224 = arith.constant 2 : i32
      %div3A_225 = arith.divsi %add3A_223, %jit3A_224 : i32
      %sign3A_226 = arith.constant 0 : i32
      %sign3A_227 = arith.cmpi sgt, %add3A_223, %sign3A_226 : i32
      %sign3A_228 = arith.extui %sign3A_227 : i1 to i32
      %sign3A_229 = arith.constant 0 : i32
      %sign3A_230 = arith.cmpi slt, %add3A_223, %sign3A_229 : i32
      %sign3A_231 = arith.extui %sign3A_230 : i1 to i32
      %sign3A_232 = arith.subi %sign3A_228, %sign3A_231 : i32
      %sign3A_233 = arith.constant 0 : i32
      %sign3A_234 = arith.cmpi sgt, %jit3A_224, %sign3A_233 : i32
      %sign3A_235 = arith.extui %sign3A_234 : i1 to i32
      %sign3A_236 = arith.constant 0 : i32
      %sign3A_237 = arith.cmpi slt, %jit3A_224, %sign3A_236 : i32
      %sign3A_238 = arith.extui %sign3A_237 : i1 to i32
      %sign3A_239 = arith.subi %sign3A_235, %sign3A_238 : i32
      %ne3A_240 = arith.cmpi ne, %sign3A_232, %sign3A_239 : i32
      %rem3A_241 = arith.remsi %add3A_223, %jit3A_224 : i32
      %ne3A_242 = arith.constant 0 : i32
      %ne3A_243 = arith.cmpi ne, %rem3A_241, %ne3A_242 : i32
      %and3A_244 = arith.andi %ne3A_240, %ne3A_243 : i1
      %sub3A_245 = arith.constant 1 : i32
      %sub3A_246 = arith.subi %div3A_225, %sub3A_245 : i32
      %select_n3A_247 = arith.select %and3A_244, %sub3A_246, %div3A_225 : i32
      %mul3A_248 = arith.constant 200 : i32
      %mul3A_249 = arith.muli %select_n3A_247, %mul3A_248 : i32
      %add3A_250 = arith.addi %mul3A_4, %mul3A_249 : i32
      %add3A_251 = arith.constant 128 : i32
      %add3A_252 = arith.addi %add3A_250, %add3A_251 : i32
      %dma_start3A_253 = arith.constant 0 : i32
      %dma_start3A_254 = tpu.memref_slice %arg4[%add3A_252, %dma_start3A_253] : memref<204800x128xf32, #tpu.memory_space<hbm>> -> memref<72x128xf32, #tpu.memory_space<hbm>>
      %dma_start3A_255 = arith.constant 0 : i32
      %dma_start3A_256 = tpu.memref_slice %arg4[%add3A_252, %dma_start3A_255] : memref<204800x128xf32, #tpu.memory_space<hbm>> -> memref<72x128xf32, #tpu.memory_space<hbm>>
      tpu.enqueue_dma source(%arg7 : memref<72x128xf32, #tpu.memory_space<vmem>>) target(%dma_start3A_256 : memref<72x128xf32, #tpu.memory_space<hbm>>) target_semaphore(%arg23 : memref<!tpu.dma_semaphore, #tpu.memory_space<semaphore_mem>>)
      %add3A_257 = arith.constant 8 : i32
      %add3A_258 = arith.addi %add3A_119, %add3A_257 : i32
      %lt3A_259 = arith.constant 64 : i32
      %lt3A_260 = arith.cmpi slt, %add3A_258, %lt3A_259 : i32
      %convert_element_type3A_261 = arith.extui %lt3A_260 : i1 to i32
      %cond3A_262 = arith.constant 0 : i32
      %cond3A_263 = arith.cmpi ne, %convert_element_type3A_261, %cond3A_262 : i32
      scf.if %cond3A_263 {
        %ge3A = arith.constant 8 : i32
        %ge3A_701 = arith.cmpi sge, %add3A_258, %ge3A : i32
        %convert_element_type3A_702 = arith.extui %ge3A_701 : i1 to i32
        %cond3A_703 = arith.constant 0 : i32
        %cond3A_704 = arith.cmpi ne, %convert_element_type3A_702, %cond3A_703 : i32
        scf.if %cond3A_704 {
          %add3A_737 = arith.constant 0 : i32
          %add3A_738 = arith.addi %add3A_119, %add3A_737 : i32
          %jit3A_739 = arith.constant 2 : i32
          %div3A_740 = arith.divsi %add3A_738, %jit3A_739 : i32
          %sign3A_741 = arith.constant 0 : i32
          %sign3A_742 = arith.cmpi sgt, %add3A_738, %sign3A_741 : i32
          %sign3A_743 = arith.extui %sign3A_742 : i1 to i32
          %sign3A_744 = arith.constant 0 : i32
          %sign3A_745 = arith.cmpi slt, %add3A_738, %sign3A_744 : i32
          %sign3A_746 = arith.extui %sign3A_745 : i1 to i32
          %sign3A_747 = arith.subi %sign3A_743, %sign3A_746 : i32
          %sign3A_748 = arith.constant 0 : i32
          %sign3A_749 = arith.cmpi sgt, %jit3A_739, %sign3A_748 : i32
          %sign3A_750 = arith.extui %sign3A_749 : i1 to i32
          %sign3A_751 = arith.constant 0 : i32
          %sign3A_752 = arith.cmpi slt, %jit3A_739, %sign3A_751 : i32
          %sign3A_753 = arith.extui %sign3A_752 : i1 to i32
          %sign3A_754 = arith.subi %sign3A_750, %sign3A_753 : i32
          %ne3A_755 = arith.cmpi ne, %sign3A_747, %sign3A_754 : i32
          %rem3A_756 = arith.remsi %add3A_738, %jit3A_739 : i32
          %ne3A_757 = arith.constant 0 : i32
          %ne3A_758 = arith.cmpi ne, %rem3A_756, %ne3A_757 : i32
          %and3A_759 = arith.andi %ne3A_755, %ne3A_758 : i1
          %sub3A_760 = arith.constant 1 : i32
          %sub3A_761 = arith.subi %div3A_740, %sub3A_760 : i32
          %select_n3A_762 = arith.select %and3A_759, %sub3A_761, %div3A_740 : i32
          %mul3A_763 = arith.constant 200 : i32
          %mul3A_764 = arith.muli %select_n3A_762, %mul3A_763 : i32
          %add3A_765 = arith.addi %mul3A_4, %mul3A_764 : i32
          %add3A_766 = arith.constant 0 : i32
          %add3A_767 = arith.addi %add3A_765, %add3A_766 : i32
          %dma_wait3A_768 = arith.constant 0 : i32
          %dma_wait3A_769 = tpu.memref_slice %arg4[%add3A_767, %dma_wait3A_768] : memref<204800x128xf32, #tpu.memory_space<hbm>> -> memref<128x128xf32, #tpu.memory_space<hbm>>
          %dma_wait3A_770 = arith.constant 0 : i32
          %dma_wait3A_771 = tpu.memref_slice %arg4[%add3A_767, %dma_wait3A_770] : memref<204800x128xf32, #tpu.memory_space<hbm>> -> memref<128x128xf32, #tpu.memory_space<hbm>>
          tpu.wait_dma2 semaphore(%arg22 : memref<!tpu.dma_semaphore, #tpu.memory_space<semaphore_mem>>) src(%arg6 : memref<128x128xf32, #tpu.memory_space<vmem>>) dst(%dma_wait3A_771 : memref<128x128xf32, #tpu.memory_space<hbm>>)
        } else {
        }
        %add3A_705 = arith.constant 8 : i32
        %add3A_706 = arith.addi %add3A_119, %add3A_705 : i32
        %jit3A_707 = arith.constant 2 : i32
        %div3A_708 = arith.divsi %add3A_706, %jit3A_707 : i32
        %sign3A_709 = arith.constant 0 : i32
        %sign3A_710 = arith.cmpi sgt, %add3A_706, %sign3A_709 : i32
        %sign3A_711 = arith.extui %sign3A_710 : i1 to i32
        %sign3A_712 = arith.constant 0 : i32
        %sign3A_713 = arith.cmpi slt, %add3A_706, %sign3A_712 : i32
        %sign3A_714 = arith.extui %sign3A_713 : i1 to i32
        %sign3A_715 = arith.subi %sign3A_711, %sign3A_714 : i32
        %sign3A_716 = arith.constant 0 : i32
        %sign3A_717 = arith.cmpi sgt, %jit3A_707, %sign3A_716 : i32
        %sign3A_718 = arith.extui %sign3A_717 : i1 to i32
        %sign3A_719 = arith.constant 0 : i32
        %sign3A_720 = arith.cmpi slt, %jit3A_707, %sign3A_719 : i32
        %sign3A_721 = arith.extui %sign3A_720 : i1 to i32
        %sign3A_722 = arith.subi %sign3A_718, %sign3A_721 : i32
        %ne3A_723 = arith.cmpi ne, %sign3A_715, %sign3A_722 : i32
        %rem3A_724 = arith.remsi %add3A_706, %jit3A_707 : i32
        %ne3A_725 = arith.constant 0 : i32
        %ne3A_726 = arith.cmpi ne, %rem3A_724, %ne3A_725 : i32
        %and3A_727 = arith.andi %ne3A_723, %ne3A_726 : i1
        %sub3A_728 = arith.constant 1 : i32
        %sub3A_729 = arith.subi %div3A_708, %sub3A_728 : i32
        %select_n3A_730 = arith.select %and3A_727, %sub3A_729, %div3A_708 : i32
        %dma_start3A_731 = arith.constant 0 : i32
        %dma_start3A_732 = tpu.memref_slice %arg5[%select_n3A_730, %dma_start3A_731] : memref<32x200xi32, #tpu.memory_space<vmem>> -> memref<1x128xi32, #tpu.memory_space<vmem>>
        %dma_start3A_733 = tpu.memref_squeeze %dma_start3A_732 : memref<1x128xi32, #tpu.memory_space<vmem>> -> memref<128xi32, #tpu.memory_space<vmem>>
        %dma_start3A_734 = arith.constant 0 : i32
        %dma_start3A_735 = arith.constant 0 : i32
        %dma_start3A_736 = tpu.memref_slice %arg3[%dma_start3A_734, %dma_start3A_735] : memref<100000x128xf32, #tpu.memory_space<hbm>> -> memref<100000x128xf32, #tpu.memory_space<hbm>>
        tpu.enqueue_indirect_dma source(%dma_start3A_736 : memref<100000x128xf32, #tpu.memory_space<hbm>>) target(%arg6 : memref<128x128xf32, #tpu.memory_space<vmem>>) offsets(%dma_start3A_733 : memref<128xi32, #tpu.memory_space<vmem>>) semaphore(%arg14 : memref<!tpu.dma_semaphore, #tpu.memory_space<semaphore_mem>>)
      } else {
      }
      %add3A_264 = arith.constant 2 : i32
      %add3A_265 = arith.addi %add3A_119, %add3A_264 : i32
      %jit3A_266 = arith.constant 2 : i32
      %div3A_267 = arith.divsi %add3A_265, %jit3A_266 : i32
      %sign3A_268 = arith.constant 0 : i32
      %sign3A_269 = arith.cmpi sgt, %add3A_265, %sign3A_268 : i32
      %sign3A_270 = arith.extui %sign3A_269 : i1 to i32
      %sign3A_271 = arith.constant 0 : i32
      %sign3A_272 = arith.cmpi slt, %add3A_265, %sign3A_271 : i32
      %sign3A_273 = arith.extui %sign3A_272 : i1 to i32
      %sign3A_274 = arith.subi %sign3A_270, %sign3A_273 : i32
      %sign3A_275 = arith.constant 0 : i32
      %sign3A_276 = arith.cmpi sgt, %jit3A_266, %sign3A_275 : i32
      %sign3A_277 = arith.extui %sign3A_276 : i1 to i32
      %sign3A_278 = arith.constant 0 : i32
      %sign3A_279 = arith.cmpi slt, %jit3A_266, %sign3A_278 : i32
      %sign3A_280 = arith.extui %sign3A_279 : i1 to i32
      %sign3A_281 = arith.subi %sign3A_277, %sign3A_280 : i32
      %ne3A_282 = arith.cmpi ne, %sign3A_274, %sign3A_281 : i32
      %rem3A_283 = arith.remsi %add3A_265, %jit3A_266 : i32
      %ne3A_284 = arith.constant 0 : i32
      %ne3A_285 = arith.cmpi ne, %rem3A_283, %ne3A_284 : i32
      %and3A_286 = arith.andi %ne3A_282, %ne3A_285 : i1
      %sub3A_287 = arith.constant 1 : i32
      %sub3A_288 = arith.subi %div3A_267, %sub3A_287 : i32
      %select_n3A_289 = arith.select %and3A_286, %sub3A_288, %div3A_267 : i32
      %dma_wait3A_290 = arith.constant 0 : i32
      %dma_wait3A_291 = tpu.memref_slice %arg5[%select_n3A_289, %dma_wait3A_290] : memref<32x200xi32, #tpu.memory_space<vmem>> -> memref<1x128xi32, #tpu.memory_space<vmem>>
      %dma_wait3A_292 = tpu.memref_squeeze %dma_wait3A_291 : memref<1x128xi32, #tpu.memory_space<vmem>> -> memref<128xi32, #tpu.memory_space<vmem>>
      %dma_wait3A_293 = arith.constant 0 : i32
      %dma_wait3A_294 = arith.constant 0 : i32
      %dma_wait3A_295 = tpu.memref_slice %arg3[%dma_wait3A_293, %dma_wait3A_294] : memref<100000x128xf32, #tpu.memory_space<hbm>> -> memref<100000x128xf32, #tpu.memory_space<hbm>>
      tpu.wait_indirect_dma semaphore(%arg16 : memref<!tpu.dma_semaphore, #tpu.memory_space<semaphore_mem>>) src(%dma_wait3A_295 : memref<100000x128xf32, #tpu.memory_space<hbm>>) dst(%arg8 : memref<128x128xf32, #tpu.memory_space<vmem>>)
      %add3A_296 = arith.constant 2 : i32
      %add3A_297 = arith.addi %add3A_119, %add3A_296 : i32
      %jit3A_298 = arith.constant 2 : i32
      %div3A_299 = arith.divsi %add3A_297, %jit3A_298 : i32
      %sign3A_300 = arith.constant 0 : i32
      %sign3A_301 = arith.cmpi sgt, %add3A_297, %sign3A_300 : i32
      %sign3A_302 = arith.extui %sign3A_301 : i1 to i32
      %sign3A_303 = arith.constant 0 : i32
      %sign3A_304 = arith.cmpi slt, %add3A_297, %sign3A_303 : i32
      %sign3A_305 = arith.extui %sign3A_304 : i1 to i32
      %sign3A_306 = arith.subi %sign3A_302, %sign3A_305 : i32
      %sign3A_307 = arith.constant 0 : i32
      %sign3A_308 = arith.cmpi sgt, %jit3A_298, %sign3A_307 : i32
      %sign3A_309 = arith.extui %sign3A_308 : i1 to i32
      %sign3A_310 = arith.constant 0 : i32
      %sign3A_311 = arith.cmpi slt, %jit3A_298, %sign3A_310 : i32
      %sign3A_312 = arith.extui %sign3A_311 : i1 to i32
      %sign3A_313 = arith.subi %sign3A_309, %sign3A_312 : i32
      %ne3A_314 = arith.cmpi ne, %sign3A_306, %sign3A_313 : i32
      %rem3A_315 = arith.remsi %add3A_297, %jit3A_298 : i32
      %ne3A_316 = arith.constant 0 : i32
      %ne3A_317 = arith.cmpi ne, %rem3A_315, %ne3A_316 : i32
      %and3A_318 = arith.andi %ne3A_314, %ne3A_317 : i1
      %sub3A_319 = arith.constant 1 : i32
      %sub3A_320 = arith.subi %div3A_299, %sub3A_319 : i32
      %select_n3A_321 = arith.select %and3A_318, %sub3A_320, %div3A_299 : i32
      %mul3A_322 = arith.constant 200 : i32
      %mul3A_323 = arith.muli %select_n3A_321, %mul3A_322 : i32
      %add3A_324 = arith.addi %mul3A_4, %mul3A_323 : i32
      %add3A_325 = arith.constant 0 : i32
      %add3A_326 = arith.addi %add3A_324, %add3A_325 : i32
      %dma_start3A_327 = arith.constant 0 : i32
      %dma_start3A_328 = tpu.memref_slice %arg4[%add3A_326, %dma_start3A_327] : memref<204800x128xf32, #tpu.memory_space<hbm>> -> memref<128x128xf32, #tpu.memory_space<hbm>>
      %dma_start3A_329 = arith.constant 0 : i32
      %dma_start3A_330 = tpu.memref_slice %arg4[%add3A_326, %dma_start3A_329] : memref<204800x128xf32, #tpu.memory_space<hbm>> -> memref<128x128xf32, #tpu.memory_space<hbm>>
      tpu.enqueue_dma source(%arg8 : memref<128x128xf32, #tpu.memory_space<vmem>>) target(%dma_start3A_330 : memref<128x128xf32, #tpu.memory_space<hbm>>) target_semaphore(%arg24 : memref<!tpu.dma_semaphore, #tpu.memory_space<semaphore_mem>>)
      %add3A_331 = arith.constant 9 : i32
      %add3A_332 = arith.addi %add3A_119, %add3A_331 : i32
      %lt3A_333 = arith.constant 64 : i32
      %lt3A_334 = arith.cmpi slt, %add3A_332, %lt3A_333 : i32
      %convert_element_type3A_335 = arith.extui %lt3A_334 : i1 to i32
      %cond3A_336 = arith.constant 0 : i32
      %cond3A_337 = arith.cmpi ne, %convert_element_type3A_335, %cond3A_336 : i32
      scf.if %cond3A_337 {
        %ge3A = arith.constant 8 : i32
        %ge3A_701 = arith.cmpi sge, %add3A_332, %ge3A : i32
        %convert_element_type3A_702 = arith.extui %ge3A_701 : i1 to i32
        %cond3A_703 = arith.constant 0 : i32
        %cond3A_704 = arith.cmpi ne, %convert_element_type3A_702, %cond3A_703 : i32
        scf.if %cond3A_704 {
          %add3A_737 = arith.constant 1 : i32
          %add3A_738 = arith.addi %add3A_119, %add3A_737 : i32
          %jit3A_739 = arith.constant 2 : i32
          %div3A_740 = arith.divsi %add3A_738, %jit3A_739 : i32
          %sign3A_741 = arith.constant 0 : i32
          %sign3A_742 = arith.cmpi sgt, %add3A_738, %sign3A_741 : i32
          %sign3A_743 = arith.extui %sign3A_742 : i1 to i32
          %sign3A_744 = arith.constant 0 : i32
          %sign3A_745 = arith.cmpi slt, %add3A_738, %sign3A_744 : i32
          %sign3A_746 = arith.extui %sign3A_745 : i1 to i32
          %sign3A_747 = arith.subi %sign3A_743, %sign3A_746 : i32
          %sign3A_748 = arith.constant 0 : i32
          %sign3A_749 = arith.cmpi sgt, %jit3A_739, %sign3A_748 : i32
          %sign3A_750 = arith.extui %sign3A_749 : i1 to i32
          %sign3A_751 = arith.constant 0 : i32
          %sign3A_752 = arith.cmpi slt, %jit3A_739, %sign3A_751 : i32
          %sign3A_753 = arith.extui %sign3A_752 : i1 to i32
          %sign3A_754 = arith.subi %sign3A_750, %sign3A_753 : i32
          %ne3A_755 = arith.cmpi ne, %sign3A_747, %sign3A_754 : i32
          %rem3A_756 = arith.remsi %add3A_738, %jit3A_739 : i32
          %ne3A_757 = arith.constant 0 : i32
          %ne3A_758 = arith.cmpi ne, %rem3A_756, %ne3A_757 : i32
          %and3A_759 = arith.andi %ne3A_755, %ne3A_758 : i1
          %sub3A_760 = arith.constant 1 : i32
          %sub3A_761 = arith.subi %div3A_740, %sub3A_760 : i32
          %select_n3A_762 = arith.select %and3A_759, %sub3A_761, %div3A_740 : i32
          %mul3A_763 = arith.constant 200 : i32
          %mul3A_764 = arith.muli %select_n3A_762, %mul3A_763 : i32
          %add3A_765 = arith.addi %mul3A_4, %mul3A_764 : i32
          %add3A_766 = arith.constant 128 : i32
          %add3A_767 = arith.addi %add3A_765, %add3A_766 : i32
          %dma_wait3A_768 = arith.constant 0 : i32
          %dma_wait3A_769 = tpu.memref_slice %arg4[%add3A_767, %dma_wait3A_768] : memref<204800x128xf32, #tpu.memory_space<hbm>> -> memref<72x128xf32, #tpu.memory_space<hbm>>
          %dma_wait3A_770 = arith.constant 0 : i32
          %dma_wait3A_771 = tpu.memref_slice %arg4[%add3A_767, %dma_wait3A_770] : memref<204800x128xf32, #tpu.memory_space<hbm>> -> memref<72x128xf32, #tpu.memory_space<hbm>>
          tpu.wait_dma2 semaphore(%arg23 : memref<!tpu.dma_semaphore, #tpu.memory_space<semaphore_mem>>) src(%arg7 : memref<72x128xf32, #tpu.memory_space<vmem>>) dst(%dma_wait3A_771 : memref<72x128xf32, #tpu.memory_space<hbm>>)
        } else {
        }
        %add3A_705 = arith.constant 9 : i32
        %add3A_706 = arith.addi %add3A_119, %add3A_705 : i32
        %jit3A_707 = arith.constant 2 : i32
        %div3A_708 = arith.divsi %add3A_706, %jit3A_707 : i32
        %sign3A_709 = arith.constant 0 : i32
        %sign3A_710 = arith.cmpi sgt, %add3A_706, %sign3A_709 : i32
        %sign3A_711 = arith.extui %sign3A_710 : i1 to i32
        %sign3A_712 = arith.constant 0 : i32
        %sign3A_713 = arith.cmpi slt, %add3A_706, %sign3A_712 : i32
        %sign3A_714 = arith.extui %sign3A_713 : i1 to i32
        %sign3A_715 = arith.subi %sign3A_711, %sign3A_714 : i32
        %sign3A_716 = arith.constant 0 : i32
        %sign3A_717 = arith.cmpi sgt, %jit3A_707, %sign3A_716 : i32
        %sign3A_718 = arith.extui %sign3A_717 : i1 to i32
        %sign3A_719 = arith.constant 0 : i32
        %sign3A_720 = arith.cmpi slt, %jit3A_707, %sign3A_719 : i32
        %sign3A_721 = arith.extui %sign3A_720 : i1 to i32
        %sign3A_722 = arith.subi %sign3A_718, %sign3A_721 : i32
        %ne3A_723 = arith.cmpi ne, %sign3A_715, %sign3A_722 : i32
        %rem3A_724 = arith.remsi %add3A_706, %jit3A_707 : i32
        %ne3A_725 = arith.constant 0 : i32
        %ne3A_726 = arith.cmpi ne, %rem3A_724, %ne3A_725 : i32
        %and3A_727 = arith.andi %ne3A_723, %ne3A_726 : i1
        %sub3A_728 = arith.constant 1 : i32
        %sub3A_729 = arith.subi %div3A_708, %sub3A_728 : i32
        %select_n3A_730 = arith.select %and3A_727, %sub3A_729, %div3A_708 : i32
        %dma_start3A_731 = arith.constant 128 : i32
        %dma_start3A_732 = tpu.memref_slice %arg5[%select_n3A_730, %dma_start3A_731] : memref<32x200xi32, #tpu.memory_space<vmem>> -> memref<1x72xi32, #tpu.memory_space<vmem>>
        %dma_start3A_733 = tpu.memref_squeeze %dma_start3A_732 : memref<1x72xi32, #tpu.memory_space<vmem>> -> memref<72xi32, #tpu.memory_space<vmem>>
        %dma_start3A_734 = arith.constant 0 : i32
        %dma_start3A_735 = arith.constant 0 : i32
        %dma_start3A_736 = tpu.memref_slice %arg3[%dma_start3A_734, %dma_start3A_735] : memref<100000x128xf32, #tpu.memory_space<hbm>> -> memref<100000x128xf32, #tpu.memory_space<hbm>>
        tpu.enqueue_indirect_dma source(%dma_start3A_736 : memref<100000x128xf32, #tpu.memory_space<hbm>>) target(%arg7 : memref<72x128xf32, #tpu.memory_space<vmem>>) offsets(%dma_start3A_733 : memref<72xi32, #tpu.memory_space<vmem>>) semaphore(%arg15 : memref<!tpu.dma_semaphore, #tpu.memory_space<semaphore_mem>>)
      } else {
      }
      %add3A_338 = arith.constant 3 : i32
      %add3A_339 = arith.addi %add3A_119, %add3A_338 : i32
      %jit3A_340 = arith.constant 2 : i32
      %div3A_341 = arith.divsi %add3A_339, %jit3A_340 : i32
      %sign3A_342 = arith.constant 0 : i32
      %sign3A_343 = arith.cmpi sgt, %add3A_339, %sign3A_342 : i32
      %sign3A_344 = arith.extui %sign3A_343 : i1 to i32
      %sign3A_345 = arith.constant 0 : i32
      %sign3A_346 = arith.cmpi slt, %add3A_339, %sign3A_345 : i32
      %sign3A_347 = arith.extui %sign3A_346 : i1 to i32
      %sign3A_348 = arith.subi %sign3A_344, %sign3A_347 : i32
      %sign3A_349 = arith.constant 0 : i32
      %sign3A_350 = arith.cmpi sgt, %jit3A_340, %sign3A_349 : i32
      %sign3A_351 = arith.extui %sign3A_350 : i1 to i32
      %sign3A_352 = arith.constant 0 : i32
      %sign3A_353 = arith.cmpi slt, %jit3A_340, %sign3A_352 : i32
      %sign3A_354 = arith.extui %sign3A_353 : i1 to i32
      %sign3A_355 = arith.subi %sign3A_351, %sign3A_354 : i32
      %ne3A_356 = arith.cmpi ne, %sign3A_348, %sign3A_355 : i32
      %rem3A_357 = arith.remsi %add3A_339, %jit3A_340 : i32
      %ne3A_358 = arith.constant 0 : i32
      %ne3A_359 = arith.cmpi ne, %rem3A_357, %ne3A_358 : i32
      %and3A_360 = arith.andi %ne3A_356, %ne3A_359 : i1
      %sub3A_361 = arith.constant 1 : i32
      %sub3A_362 = arith.subi %div3A_341, %sub3A_361 : i32
      %select_n3A_363 = arith.select %and3A_360, %sub3A_362, %div3A_341 : i32
      %dma_wait3A_364 = arith.constant 128 : i32
      %dma_wait3A_365 = tpu.memref_slice %arg5[%select_n3A_363, %dma_wait3A_364] : memref<32x200xi32, #tpu.memory_space<vmem>> -> memref<1x72xi32, #tpu.memory_space<vmem>>
      %dma_wait3A_366 = tpu.memref_squeeze %dma_wait3A_365 : memref<1x72xi32, #tpu.memory_space<vmem>> -> memref<72xi32, #tpu.memory_space<vmem>>
      %dma_wait3A_367 = arith.constant 0 : i32
      %dma_wait3A_368 = arith.constant 0 : i32
      %dma_wait3A_369 = tpu.memref_slice %arg3[%dma_wait3A_367, %dma_wait3A_368] : memref<100000x128xf32, #tpu.memory_space<hbm>> -> memref<100000x128xf32, #tpu.memory_space<hbm>>
      tpu.wait_indirect_dma semaphore(%arg17 : memref<!tpu.dma_semaphore, #tpu.memory_space<semaphore_mem>>) src(%dma_wait3A_369 : memref<100000x128xf32, #tpu.memory_space<hbm>>) dst(%arg9 : memref<72x128xf32, #tpu.memory_space<vmem>>)
      %add3A_370 = arith.constant 3 : i32
      %add3A_371 = arith.addi %add3A_119, %add3A_370 : i32
      %jit3A_372 = arith.constant 2 : i32
      %div3A_373 = arith.divsi %add3A_371, %jit3A_372 : i32
      %sign3A_374 = arith.constant 0 : i32
      %sign3A_375 = arith.cmpi sgt, %add3A_371, %sign3A_374 : i32
      %sign3A_376 = arith.extui %sign3A_375 : i1 to i32
      %sign3A_377 = arith.constant 0 : i32
      %sign3A_378 = arith.cmpi slt, %add3A_371, %sign3A_377 : i32
      %sign3A_379 = arith.extui %sign3A_378 : i1 to i32
      %sign3A_380 = arith.subi %sign3A_376, %sign3A_379 : i32
      %sign3A_381 = arith.constant 0 : i32
      %sign3A_382 = arith.cmpi sgt, %jit3A_372, %sign3A_381 : i32
      %sign3A_383 = arith.extui %sign3A_382 : i1 to i32
      %sign3A_384 = arith.constant 0 : i32
      %sign3A_385 = arith.cmpi slt, %jit3A_372, %sign3A_384 : i32
      %sign3A_386 = arith.extui %sign3A_385 : i1 to i32
      %sign3A_387 = arith.subi %sign3A_383, %sign3A_386 : i32
      %ne3A_388 = arith.cmpi ne, %sign3A_380, %sign3A_387 : i32
      %rem3A_389 = arith.remsi %add3A_371, %jit3A_372 : i32
      %ne3A_390 = arith.constant 0 : i32
      %ne3A_391 = arith.cmpi ne, %rem3A_389, %ne3A_390 : i32
      %and3A_392 = arith.andi %ne3A_388, %ne3A_391 : i1
      %sub3A_393 = arith.constant 1 : i32
      %sub3A_394 = arith.subi %div3A_373, %sub3A_393 : i32
      %select_n3A_395 = arith.select %and3A_392, %sub3A_394, %div3A_373 : i32
      %mul3A_396 = arith.constant 200 : i32
      %mul3A_397 = arith.muli %select_n3A_395, %mul3A_396 : i32
      %add3A_398 = arith.addi %mul3A_4, %mul3A_397 : i32
      %add3A_399 = arith.constant 128 : i32
      %add3A_400 = arith.addi %add3A_398, %add3A_399 : i32
      %dma_start3A_401 = arith.constant 0 : i32
      %dma_start3A_402 = tpu.memref_slice %arg4[%add3A_400, %dma_start3A_401] : memref<204800x128xf32, #tpu.memory_space<hbm>> -> memref<72x128xf32, #tpu.memory_space<hbm>>
      %dma_start3A_403 = arith.constant 0 : i32
      %dma_start3A_404 = tpu.memref_slice %arg4[%add3A_400, %dma_start3A_403] : memref<204800x128xf32, #tpu.memory_space<hbm>> -> memref<72x128xf32, #tpu.memory_space<hbm>>
      tpu.enqueue_dma source(%arg9 : memref<72x128xf32, #tpu.memory_space<vmem>>) target(%dma_start3A_404 : memref<72x128xf32, #tpu.memory_space<hbm>>) target_semaphore(%arg25 : memref<!tpu.dma_semaphore, #tpu.memory_space<semaphore_mem>>)
      %add3A_405 = arith.constant 10 : i32
      %add3A_406 = arith.addi %add3A_119, %add3A_405 : i32
      %lt3A_407 = arith.constant 64 : i32
      %lt3A_408 = arith.cmpi slt, %add3A_406, %lt3A_407 : i32
      %convert_element_type3A_409 = arith.extui %lt3A_408 : i1 to i32
      %cond3A_410 = arith.constant 0 : i32
      %cond3A_411 = arith.cmpi ne, %convert_element_type3A_409, %cond3A_410 : i32
      scf.if %cond3A_411 {
        %ge3A = arith.constant 8 : i32
        %ge3A_701 = arith.cmpi sge, %add3A_406, %ge3A : i32
        %convert_element_type3A_702 = arith.extui %ge3A_701 : i1 to i32
        %cond3A_703 = arith.constant 0 : i32
        %cond3A_704 = arith.cmpi ne, %convert_element_type3A_702, %cond3A_703 : i32
        scf.if %cond3A_704 {
          %add3A_737 = arith.constant 2 : i32
          %add3A_738 = arith.addi %add3A_119, %add3A_737 : i32
          %jit3A_739 = arith.constant 2 : i32
          %div3A_740 = arith.divsi %add3A_738, %jit3A_739 : i32
          %sign3A_741 = arith.constant 0 : i32
          %sign3A_742 = arith.cmpi sgt, %add3A_738, %sign3A_741 : i32
          %sign3A_743 = arith.extui %sign3A_742 : i1 to i32
          %sign3A_744 = arith.constant 0 : i32
          %sign3A_745 = arith.cmpi slt, %add3A_738, %sign3A_744 : i32
          %sign3A_746 = arith.extui %sign3A_745 : i1 to i32
          %sign3A_747 = arith.subi %sign3A_743, %sign3A_746 : i32
          %sign3A_748 = arith.constant 0 : i32
          %sign3A_749 = arith.cmpi sgt, %jit3A_739, %sign3A_748 : i32
          %sign3A_750 = arith.extui %sign3A_749 : i1 to i32
          %sign3A_751 = arith.constant 0 : i32
          %sign3A_752 = arith.cmpi slt, %jit3A_739, %sign3A_751 : i32
          %sign3A_753 = arith.extui %sign3A_752 : i1 to i32
          %sign3A_754 = arith.subi %sign3A_750, %sign3A_753 : i32
          %ne3A_755 = arith.cmpi ne, %sign3A_747, %sign3A_754 : i32
          %rem3A_756 = arith.remsi %add3A_738, %jit3A_739 : i32
          %ne3A_757 = arith.constant 0 : i32
          %ne3A_758 = arith.cmpi ne, %rem3A_756, %ne3A_757 : i32
          %and3A_759 = arith.andi %ne3A_755, %ne3A_758 : i1
          %sub3A_760 = arith.constant 1 : i32
          %sub3A_761 = arith.subi %div3A_740, %sub3A_760 : i32
          %select_n3A_762 = arith.select %and3A_759, %sub3A_761, %div3A_740 : i32
          %mul3A_763 = arith.constant 200 : i32
          %mul3A_764 = arith.muli %select_n3A_762, %mul3A_763 : i32
          %add3A_765 = arith.addi %mul3A_4, %mul3A_764 : i32
          %add3A_766 = arith.constant 0 : i32
          %add3A_767 = arith.addi %add3A_765, %add3A_766 : i32
          %dma_wait3A_768 = arith.constant 0 : i32
          %dma_wait3A_769 = tpu.memref_slice %arg4[%add3A_767, %dma_wait3A_768] : memref<204800x128xf32, #tpu.memory_space<hbm>> -> memref<128x128xf32, #tpu.memory_space<hbm>>
          %dma_wait3A_770 = arith.constant 0 : i32
          %dma_wait3A_771 = tpu.memref_slice %arg4[%add3A_767, %dma_wait3A_770] : memref<204800x128xf32, #tpu.memory_space<hbm>> -> memref<128x128xf32, #tpu.memory_space<hbm>>
          tpu.wait_dma2 semaphore(%arg24 : memref<!tpu.dma_semaphore, #tpu.memory_space<semaphore_mem>>) src(%arg8 : memref<128x128xf32, #tpu.memory_space<vmem>>) dst(%dma_wait3A_771 : memref<128x128xf32, #tpu.memory_space<hbm>>)
        } else {
        }
        %add3A_705 = arith.constant 10 : i32
        %add3A_706 = arith.addi %add3A_119, %add3A_705 : i32
        %jit3A_707 = arith.constant 2 : i32
        %div3A_708 = arith.divsi %add3A_706, %jit3A_707 : i32
        %sign3A_709 = arith.constant 0 : i32
        %sign3A_710 = arith.cmpi sgt, %add3A_706, %sign3A_709 : i32
        %sign3A_711 = arith.extui %sign3A_710 : i1 to i32
        %sign3A_712 = arith.constant 0 : i32
        %sign3A_713 = arith.cmpi slt, %add3A_706, %sign3A_712 : i32
        %sign3A_714 = arith.extui %sign3A_713 : i1 to i32
        %sign3A_715 = arith.subi %sign3A_711, %sign3A_714 : i32
        %sign3A_716 = arith.constant 0 : i32
        %sign3A_717 = arith.cmpi sgt, %jit3A_707, %sign3A_716 : i32
        %sign3A_718 = arith.extui %sign3A_717 : i1 to i32
        %sign3A_719 = arith.constant 0 : i32
        %sign3A_720 = arith.cmpi slt, %jit3A_707, %sign3A_719 : i32
        %sign3A_721 = arith.extui %sign3A_720 : i1 to i32
        %sign3A_722 = arith.subi %sign3A_718, %sign3A_721 : i32
        %ne3A_723 = arith.cmpi ne, %sign3A_715, %sign3A_722 : i32
        %rem3A_724 = arith.remsi %add3A_706, %jit3A_707 : i32
        %ne3A_725 = arith.constant 0 : i32
        %ne3A_726 = arith.cmpi ne, %rem3A_724, %ne3A_725 : i32
        %and3A_727 = arith.andi %ne3A_723, %ne3A_726 : i1
        %sub3A_728 = arith.constant 1 : i32
        %sub3A_729 = arith.subi %div3A_708, %sub3A_728 : i32
        %select_n3A_730 = arith.select %and3A_727, %sub3A_729, %div3A_708 : i32
        %dma_start3A_731 = arith.constant 0 : i32
        %dma_start3A_732 = tpu.memref_slice %arg5[%select_n3A_730, %dma_start3A_731] : memref<32x200xi32, #tpu.memory_space<vmem>> -> memref<1x128xi32, #tpu.memory_space<vmem>>
        %dma_start3A_733 = tpu.memref_squeeze %dma_start3A_732 : memref<1x128xi32, #tpu.memory_space<vmem>> -> memref<128xi32, #tpu.memory_space<vmem>>
        %dma_start3A_734 = arith.constant 0 : i32
        %dma_start3A_735 = arith.constant 0 : i32
        %dma_start3A_736 = tpu.memref_slice %arg3[%dma_start3A_734, %dma_start3A_735] : memref<100000x128xf32, #tpu.memory_space<hbm>> -> memref<100000x128xf32, #tpu.memory_space<hbm>>
        tpu.enqueue_indirect_dma source(%dma_start3A_736 : memref<100000x128xf32, #tpu.memory_space<hbm>>) target(%arg8 : memref<128x128xf32, #tpu.memory_space<vmem>>) offsets(%dma_start3A_733 : memref<128xi32, #tpu.memory_space<vmem>>) semaphore(%arg16 : memref<!tpu.dma_semaphore, #tpu.memory_space<semaphore_mem>>)
      } else {
      }
      %add3A_412 = arith.constant 4 : i32
      %add3A_413 = arith.addi %add3A_119, %add3A_412 : i32
      %jit3A_414 = arith.constant 2 : i32
      %div3A_415 = arith.divsi %add3A_413, %jit3A_414 : i32
      %sign3A_416 = arith.constant 0 : i32
      %sign3A_417 = arith.cmpi sgt, %add3A_413, %sign3A_416 : i32
      %sign3A_418 = arith.extui %sign3A_417 : i1 to i32
      %sign3A_419 = arith.constant 0 : i32
      %sign3A_420 = arith.cmpi slt, %add3A_413, %sign3A_419 : i32
      %sign3A_421 = arith.extui %sign3A_420 : i1 to i32
      %sign3A_422 = arith.subi %sign3A_418, %sign3A_421 : i32
      %sign3A_423 = arith.constant 0 : i32
      %sign3A_424 = arith.cmpi sgt, %jit3A_414, %sign3A_423 : i32
      %sign3A_425 = arith.extui %sign3A_424 : i1 to i32
      %sign3A_426 = arith.constant 0 : i32
      %sign3A_427 = arith.cmpi slt, %jit3A_414, %sign3A_426 : i32
      %sign3A_428 = arith.extui %sign3A_427 : i1 to i32
      %sign3A_429 = arith.subi %sign3A_425, %sign3A_428 : i32
      %ne3A_430 = arith.cmpi ne, %sign3A_422, %sign3A_429 : i32
      %rem3A_431 = arith.remsi %add3A_413, %jit3A_414 : i32
      %ne3A_432 = arith.constant 0 : i32
      %ne3A_433 = arith.cmpi ne, %rem3A_431, %ne3A_432 : i32
      %and3A_434 = arith.andi %ne3A_430, %ne3A_433 : i1
      %sub3A_435 = arith.constant 1 : i32
      %sub3A_436 = arith.subi %div3A_415, %sub3A_435 : i32
      %select_n3A_437 = arith.select %and3A_434, %sub3A_436, %div3A_415 : i32
      %dma_wait3A_438 = arith.constant 0 : i32
      %dma_wait3A_439 = tpu.memref_slice %arg5[%select_n3A_437, %dma_wait3A_438] : memref<32x200xi32, #tpu.memory_space<vmem>> -> memref<1x128xi32, #tpu.memory_space<vmem>>
      %dma_wait3A_440 = tpu.memref_squeeze %dma_wait3A_439 : memref<1x128xi32, #tpu.memory_space<vmem>> -> memref<128xi32, #tpu.memory_space<vmem>>
      %dma_wait3A_441 = arith.constant 0 : i32
      %dma_wait3A_442 = arith.constant 0 : i32
      %dma_wait3A_443 = tpu.memref_slice %arg3[%dma_wait3A_441, %dma_wait3A_442] : memref<100000x128xf32, #tpu.memory_space<hbm>> -> memref<100000x128xf32, #tpu.memory_space<hbm>>
      tpu.wait_indirect_dma semaphore(%arg18 : memref<!tpu.dma_semaphore, #tpu.memory_space<semaphore_mem>>) src(%dma_wait3A_443 : memref<100000x128xf32, #tpu.memory_space<hbm>>) dst(%arg10 : memref<128x128xf32, #tpu.memory_space<vmem>>)
      %add3A_444 = arith.constant 4 : i32
      %add3A_445 = arith.addi %add3A_119, %add3A_444 : i32
      %jit3A_446 = arith.constant 2 : i32
      %div3A_447 = arith.divsi %add3A_445, %jit3A_446 : i32
      %sign3A_448 = arith.constant 0 : i32
      %sign3A_449 = arith.cmpi sgt, %add3A_445, %sign3A_448 : i32
      %sign3A_450 = arith.extui %sign3A_449 : i1 to i32
      %sign3A_451 = arith.constant 0 : i32
      %sign3A_452 = arith.cmpi slt, %add3A_445, %sign3A_451 : i32
      %sign3A_453 = arith.extui %sign3A_452 : i1 to i32
      %sign3A_454 = arith.subi %sign3A_450, %sign3A_453 : i32
      %sign3A_455 = arith.constant 0 : i32
      %sign3A_456 = arith.cmpi sgt, %jit3A_446, %sign3A_455 : i32
      %sign3A_457 = arith.extui %sign3A_456 : i1 to i32
      %sign3A_458 = arith.constant 0 : i32
      %sign3A_459 = arith.cmpi slt, %jit3A_446, %sign3A_458 : i32
      %sign3A_460 = arith.extui %sign3A_459 : i1 to i32
      %sign3A_461 = arith.subi %sign3A_457, %sign3A_460 : i32
      %ne3A_462 = arith.cmpi ne, %sign3A_454, %sign3A_461 : i32
      %rem3A_463 = arith.remsi %add3A_445, %jit3A_446 : i32
      %ne3A_464 = arith.constant 0 : i32
      %ne3A_465 = arith.cmpi ne, %rem3A_463, %ne3A_464 : i32
      %and3A_466 = arith.andi %ne3A_462, %ne3A_465 : i1
      %sub3A_467 = arith.constant 1 : i32
      %sub3A_468 = arith.subi %div3A_447, %sub3A_467 : i32
      %select_n3A_469 = arith.select %and3A_466, %sub3A_468, %div3A_447 : i32
      %mul3A_470 = arith.constant 200 : i32
      %mul3A_471 = arith.muli %select_n3A_469, %mul3A_470 : i32
      %add3A_472 = arith.addi %mul3A_4, %mul3A_471 : i32
      %add3A_473 = arith.constant 0 : i32
      %add3A_474 = arith.addi %add3A_472, %add3A_473 : i32
      %dma_start3A_475 = arith.constant 0 : i32
      %dma_start3A_476 = tpu.memref_slice %arg4[%add3A_474, %dma_start3A_475] : memref<204800x128xf32, #tpu.memory_space<hbm>> -> memref<128x128xf32, #tpu.memory_space<hbm>>
      %dma_start3A_477 = arith.constant 0 : i32
      %dma_start3A_478 = tpu.memref_slice %arg4[%add3A_474, %dma_start3A_477] : memref<204800x128xf32, #tpu.memory_space<hbm>> -> memref<128x128xf32, #tpu.memory_space<hbm>>
      tpu.enqueue_dma source(%arg10 : memref<128x128xf32, #tpu.memory_space<vmem>>) target(%dma_start3A_478 : memref<128x128xf32, #tpu.memory_space<hbm>>) target_semaphore(%arg26 : memref<!tpu.dma_semaphore, #tpu.memory_space<semaphore_mem>>)
      %add3A_479 = arith.constant 11 : i32
      %add3A_480 = arith.addi %add3A_119, %add3A_479 : i32
      %lt3A_481 = arith.constant 64 : i32
      %lt3A_482 = arith.cmpi slt, %add3A_480, %lt3A_481 : i32
      %convert_element_type3A_483 = arith.extui %lt3A_482 : i1 to i32
      %cond3A_484 = arith.constant 0 : i32
      %cond3A_485 = arith.cmpi ne, %convert_element_type3A_483, %cond3A_484 : i32
      scf.if %cond3A_485 {
        %ge3A = arith.constant 8 : i32
        %ge3A_701 = arith.cmpi sge, %add3A_480, %ge3A : i32
        %convert_element_type3A_702 = arith.extui %ge3A_701 : i1 to i32
        %cond3A_703 = arith.constant 0 : i32
        %cond3A_704 = arith.cmpi ne, %convert_element_type3A_702, %cond3A_703 : i32
        scf.if %cond3A_704 {
          %add3A_737 = arith.constant 3 : i32
          %add3A_738 = arith.addi %add3A_119, %add3A_737 : i32
          %jit3A_739 = arith.constant 2 : i32
          %div3A_740 = arith.divsi %add3A_738, %jit3A_739 : i32
          %sign3A_741 = arith.constant 0 : i32
          %sign3A_742 = arith.cmpi sgt, %add3A_738, %sign3A_741 : i32
          %sign3A_743 = arith.extui %sign3A_742 : i1 to i32
          %sign3A_744 = arith.constant 0 : i32
          %sign3A_745 = arith.cmpi slt, %add3A_738, %sign3A_744 : i32
          %sign3A_746 = arith.extui %sign3A_745 : i1 to i32
          %sign3A_747 = arith.subi %sign3A_743, %sign3A_746 : i32
          %sign3A_748 = arith.constant 0 : i32
          %sign3A_749 = arith.cmpi sgt, %jit3A_739, %sign3A_748 : i32
          %sign3A_750 = arith.extui %sign3A_749 : i1 to i32
          %sign3A_751 = arith.constant 0 : i32
          %sign3A_752 = arith.cmpi slt, %jit3A_739, %sign3A_751 : i32
          %sign3A_753 = arith.extui %sign3A_752 : i1 to i32
          %sign3A_754 = arith.subi %sign3A_750, %sign3A_753 : i32
          %ne3A_755 = arith.cmpi ne, %sign3A_747, %sign3A_754 : i32
          %rem3A_756 = arith.remsi %add3A_738, %jit3A_739 : i32
          %ne3A_757 = arith.constant 0 : i32
          %ne3A_758 = arith.cmpi ne, %rem3A_756, %ne3A_757 : i32
          %and3A_759 = arith.andi %ne3A_755, %ne3A_758 : i1
          %sub3A_760 = arith.constant 1 : i32
          %sub3A_761 = arith.subi %div3A_740, %sub3A_760 : i32
          %select_n3A_762 = arith.select %and3A_759, %sub3A_761, %div3A_740 : i32
          %mul3A_763 = arith.constant 200 : i32
          %mul3A_764 = arith.muli %select_n3A_762, %mul3A_763 : i32
          %add3A_765 = arith.addi %mul3A_4, %mul3A_764 : i32
          %add3A_766 = arith.constant 128 : i32
          %add3A_767 = arith.addi %add3A_765, %add3A_766 : i32
          %dma_wait3A_768 = arith.constant 0 : i32
          %dma_wait3A_769 = tpu.memref_slice %arg4[%add3A_767, %dma_wait3A_768] : memref<204800x128xf32, #tpu.memory_space<hbm>> -> memref<72x128xf32, #tpu.memory_space<hbm>>
          %dma_wait3A_770 = arith.constant 0 : i32
          %dma_wait3A_771 = tpu.memref_slice %arg4[%add3A_767, %dma_wait3A_770] : memref<204800x128xf32, #tpu.memory_space<hbm>> -> memref<72x128xf32, #tpu.memory_space<hbm>>
          tpu.wait_dma2 semaphore(%arg25 : memref<!tpu.dma_semaphore, #tpu.memory_space<semaphore_mem>>) src(%arg9 : memref<72x128xf32, #tpu.memory_space<vmem>>) dst(%dma_wait3A_771 : memref<72x128xf32, #tpu.memory_space<hbm>>)
        } else {
        }
        %add3A_705 = arith.constant 11 : i32
        %add3A_706 = arith.addi %add3A_119, %add3A_705 : i32
        %jit3A_707 = arith.constant 2 : i32
        %div3A_708 = arith.divsi %add3A_706, %jit3A_707 : i32
        %sign3A_709 = arith.constant 0 : i32
        %sign3A_710 = arith.cmpi sgt, %add3A_706, %sign3A_709 : i32
        %sign3A_711 = arith.extui %sign3A_710 : i1 to i32
        %sign3A_712 = arith.constant 0 : i32
        %sign3A_713 = arith.cmpi slt, %add3A_706, %sign3A_712 : i32
        %sign3A_714 = arith.extui %sign3A_713 : i1 to i32
        %sign3A_715 = arith.subi %sign3A_711, %sign3A_714 : i32
        %sign3A_716 = arith.constant 0 : i32
        %sign3A_717 = arith.cmpi sgt, %jit3A_707, %sign3A_716 : i32
        %sign3A_718 = arith.extui %sign3A_717 : i1 to i32
        %sign3A_719 = arith.constant 0 : i32
        %sign3A_720 = arith.cmpi slt, %jit3A_707, %sign3A_719 : i32
        %sign3A_721 = arith.extui %sign3A_720 : i1 to i32
        %sign3A_722 = arith.subi %sign3A_718, %sign3A_721 : i32
        %ne3A_723 = arith.cmpi ne, %sign3A_715, %sign3A_722 : i32
        %rem3A_724 = arith.remsi %add3A_706, %jit3A_707 : i32
        %ne3A_725 = arith.constant 0 : i32
        %ne3A_726 = arith.cmpi ne, %rem3A_724, %ne3A_725 : i32
        %and3A_727 = arith.andi %ne3A_723, %ne3A_726 : i1
        %sub3A_728 = arith.constant 1 : i32
        %sub3A_729 = arith.subi %div3A_708, %sub3A_728 : i32
        %select_n3A_730 = arith.select %and3A_727, %sub3A_729, %div3A_708 : i32
        %dma_start3A_731 = arith.constant 128 : i32
        %dma_start3A_732 = tpu.memref_slice %arg5[%select_n3A_730, %dma_start3A_731] : memref<32x200xi32, #tpu.memory_space<vmem>> -> memref<1x72xi32, #tpu.memory_space<vmem>>
        %dma_start3A_733 = tpu.memref_squeeze %dma_start3A_732 : memref<1x72xi32, #tpu.memory_space<vmem>> -> memref<72xi32, #tpu.memory_space<vmem>>
        %dma_start3A_734 = arith.constant 0 : i32
        %dma_start3A_735 = arith.constant 0 : i32
        %dma_start3A_736 = tpu.memref_slice %arg3[%dma_start3A_734, %dma_start3A_735] : memref<100000x128xf32, #tpu.memory_space<hbm>> -> memref<100000x128xf32, #tpu.memory_space<hbm>>
        tpu.enqueue_indirect_dma source(%dma_start3A_736 : memref<100000x128xf32, #tpu.memory_space<hbm>>) target(%arg9 : memref<72x128xf32, #tpu.memory_space<vmem>>) offsets(%dma_start3A_733 : memref<72xi32, #tpu.memory_space<vmem>>) semaphore(%arg17 : memref<!tpu.dma_semaphore, #tpu.memory_space<semaphore_mem>>)
      } else {
      }
      %add3A_486 = arith.constant 5 : i32
      %add3A_487 = arith.addi %add3A_119, %add3A_486 : i32
      %jit3A_488 = arith.constant 2 : i32
      %div3A_489 = arith.divsi %add3A_487, %jit3A_488 : i32
      %sign3A_490 = arith.constant 0 : i32
      %sign3A_491 = arith.cmpi sgt, %add3A_487, %sign3A_490 : i32
      %sign3A_492 = arith.extui %sign3A_491 : i1 to i32
      %sign3A_493 = arith.constant 0 : i32
      %sign3A_494 = arith.cmpi slt, %add3A_487, %sign3A_493 : i32
      %sign3A_495 = arith.extui %sign3A_494 : i1 to i32
      %sign3A_496 = arith.subi %sign3A_492, %sign3A_495 : i32
      %sign3A_497 = arith.constant 0 : i32
      %sign3A_498 = arith.cmpi sgt, %jit3A_488, %sign3A_497 : i32
      %sign3A_499 = arith.extui %sign3A_498 : i1 to i32
      %sign3A_500 = arith.constant 0 : i32
      %sign3A_501 = arith.cmpi slt, %jit3A_488, %sign3A_500 : i32
      %sign3A_502 = arith.extui %sign3A_501 : i1 to i32
      %sign3A_503 = arith.subi %sign3A_499, %sign3A_502 : i32
      %ne3A_504 = arith.cmpi ne, %sign3A_496, %sign3A_503 : i32
      %rem3A_505 = arith.remsi %add3A_487, %jit3A_488 : i32
      %ne3A_506 = arith.constant 0 : i32
      %ne3A_507 = arith.cmpi ne, %rem3A_505, %ne3A_506 : i32
      %and3A_508 = arith.andi %ne3A_504, %ne3A_507 : i1
      %sub3A_509 = arith.constant 1 : i32
      %sub3A_510 = arith.subi %div3A_489, %sub3A_509 : i32
      %select_n3A_511 = arith.select %and3A_508, %sub3A_510, %div3A_489 : i32
      %dma_wait3A_512 = arith.constant 128 : i32
      %dma_wait3A_513 = tpu.memref_slice %arg5[%select_n3A_511, %dma_wait3A_512] : memref<32x200xi32, #tpu.memory_space<vmem>> -> memref<1x72xi32, #tpu.memory_space<vmem>>
      %dma_wait3A_514 = tpu.memref_squeeze %dma_wait3A_513 : memref<1x72xi32, #tpu.memory_space<vmem>> -> memref<72xi32, #tpu.memory_space<vmem>>
      %dma_wait3A_515 = arith.constant 0 : i32
      %dma_wait3A_516 = arith.constant 0 : i32
      %dma_wait3A_517 = tpu.memref_slice %arg3[%dma_wait3A_515, %dma_wait3A_516] : memref<100000x128xf32, #tpu.memory_space<hbm>> -> memref<100000x128xf32, #tpu.memory_space<hbm>>
      tpu.wait_indirect_dma semaphore(%arg19 : memref<!tpu.dma_semaphore, #tpu.memory_space<semaphore_mem>>) src(%dma_wait3A_517 : memref<100000x128xf32, #tpu.memory_space<hbm>>) dst(%arg11 : memref<72x128xf32, #tpu.memory_space<vmem>>)
      %add3A_518 = arith.constant 5 : i32
      %add3A_519 = arith.addi %add3A_119, %add3A_518 : i32
      %jit3A_520 = arith.constant 2 : i32
      %div3A_521 = arith.divsi %add3A_519, %jit3A_520 : i32
      %sign3A_522 = arith.constant 0 : i32
      %sign3A_523 = arith.cmpi sgt, %add3A_519, %sign3A_522 : i32
      %sign3A_524 = arith.extui %sign3A_523 : i1 to i32
      %sign3A_525 = arith.constant 0 : i32
      %sign3A_526 = arith.cmpi slt, %add3A_519, %sign3A_525 : i32
      %sign3A_527 = arith.extui %sign3A_526 : i1 to i32
      %sign3A_528 = arith.subi %sign3A_524, %sign3A_527 : i32
      %sign3A_529 = arith.constant 0 : i32
      %sign3A_530 = arith.cmpi sgt, %jit3A_520, %sign3A_529 : i32
      %sign3A_531 = arith.extui %sign3A_530 : i1 to i32
      %sign3A_532 = arith.constant 0 : i32
      %sign3A_533 = arith.cmpi slt, %jit3A_520, %sign3A_532 : i32
      %sign3A_534 = arith.extui %sign3A_533 : i1 to i32
      %sign3A_535 = arith.subi %sign3A_531, %sign3A_534 : i32
      %ne3A_536 = arith.cmpi ne, %sign3A_528, %sign3A_535 : i32
      %rem3A_537 = arith.remsi %add3A_519, %jit3A_520 : i32
      %ne3A_538 = arith.constant 0 : i32
      %ne3A_539 = arith.cmpi ne, %rem3A_537, %ne3A_538 : i32
      %and3A_540 = arith.andi %ne3A_536, %ne3A_539 : i1
      %sub3A_541 = arith.constant 1 : i32
      %sub3A_542 = arith.subi %div3A_521, %sub3A_541 : i32
      %select_n3A_543 = arith.select %and3A_540, %sub3A_542, %div3A_521 : i32
      %mul3A_544 = arith.constant 200 : i32
      %mul3A_545 = arith.muli %select_n3A_543, %mul3A_544 : i32
      %add3A_546 = arith.addi %mul3A_4, %mul3A_545 : i32
      %add3A_547 = arith.constant 128 : i32
      %add3A_548 = arith.addi %add3A_546, %add3A_547 : i32
      %dma_start3A_549 = arith.constant 0 : i32
      %dma_start3A_550 = tpu.memref_slice %arg4[%add3A_548, %dma_start3A_549] : memref<204800x128xf32, #tpu.memory_space<hbm>> -> memref<72x128xf32, #tpu.memory_space<hbm>>
      %dma_start3A_551 = arith.constant 0 : i32
      %dma_start3A_552 = tpu.memref_slice %arg4[%add3A_548, %dma_start3A_551] : memref<204800x128xf32, #tpu.memory_space<hbm>> -> memref<72x128xf32, #tpu.memory_space<hbm>>
      tpu.enqueue_dma source(%arg11 : memref<72x128xf32, #tpu.memory_space<vmem>>) target(%dma_start3A_552 : memref<72x128xf32, #tpu.memory_space<hbm>>) target_semaphore(%arg27 : memref<!tpu.dma_semaphore, #tpu.memory_space<semaphore_mem>>)
      %add3A_553 = arith.constant 12 : i32
      %add3A_554 = arith.addi %add3A_119, %add3A_553 : i32
      %lt3A_555 = arith.constant 64 : i32
      %lt3A_556 = arith.cmpi slt, %add3A_554, %lt3A_555 : i32
      %convert_element_type3A_557 = arith.extui %lt3A_556 : i1 to i32
      %cond3A_558 = arith.constant 0 : i32
      %cond3A_559 = arith.cmpi ne, %convert_element_type3A_557, %cond3A_558 : i32
      scf.if %cond3A_559 {
        %ge3A = arith.constant 8 : i32
        %ge3A_701 = arith.cmpi sge, %add3A_554, %ge3A : i32
        %convert_element_type3A_702 = arith.extui %ge3A_701 : i1 to i32
        %cond3A_703 = arith.constant 0 : i32
        %cond3A_704 = arith.cmpi ne, %convert_element_type3A_702, %cond3A_703 : i32
        scf.if %cond3A_704 {
          %add3A_737 = arith.constant 4 : i32
          %add3A_738 = arith.addi %add3A_119, %add3A_737 : i32
          %jit3A_739 = arith.constant 2 : i32
          %div3A_740 = arith.divsi %add3A_738, %jit3A_739 : i32
          %sign3A_741 = arith.constant 0 : i32
          %sign3A_742 = arith.cmpi sgt, %add3A_738, %sign3A_741 : i32
          %sign3A_743 = arith.extui %sign3A_742 : i1 to i32
          %sign3A_744 = arith.constant 0 : i32
          %sign3A_745 = arith.cmpi slt, %add3A_738, %sign3A_744 : i32
          %sign3A_746 = arith.extui %sign3A_745 : i1 to i32
          %sign3A_747 = arith.subi %sign3A_743, %sign3A_746 : i32
          %sign3A_748 = arith.constant 0 : i32
          %sign3A_749 = arith.cmpi sgt, %jit3A_739, %sign3A_748 : i32
          %sign3A_750 = arith.extui %sign3A_749 : i1 to i32
          %sign3A_751 = arith.constant 0 : i32
          %sign3A_752 = arith.cmpi slt, %jit3A_739, %sign3A_751 : i32
          %sign3A_753 = arith.extui %sign3A_752 : i1 to i32
          %sign3A_754 = arith.subi %sign3A_750, %sign3A_753 : i32
          %ne3A_755 = arith.cmpi ne, %sign3A_747, %sign3A_754 : i32
          %rem3A_756 = arith.remsi %add3A_738, %jit3A_739 : i32
          %ne3A_757 = arith.constant 0 : i32
          %ne3A_758 = arith.cmpi ne, %rem3A_756, %ne3A_757 : i32
          %and3A_759 = arith.andi %ne3A_755, %ne3A_758 : i1
          %sub3A_760 = arith.constant 1 : i32
          %sub3A_761 = arith.subi %div3A_740, %sub3A_760 : i32
          %select_n3A_762 = arith.select %and3A_759, %sub3A_761, %div3A_740 : i32
          %mul3A_763 = arith.constant 200 : i32
          %mul3A_764 = arith.muli %select_n3A_762, %mul3A_763 : i32
          %add3A_765 = arith.addi %mul3A_4, %mul3A_764 : i32
          %add3A_766 = arith.constant 0 : i32
          %add3A_767 = arith.addi %add3A_765, %add3A_766 : i32
          %dma_wait3A_768 = arith.constant 0 : i32
          %dma_wait3A_769 = tpu.memref_slice %arg4[%add3A_767, %dma_wait3A_768] : memref<204800x128xf32, #tpu.memory_space<hbm>> -> memref<128x128xf32, #tpu.memory_space<hbm>>
          %dma_wait3A_770 = arith.constant 0 : i32
          %dma_wait3A_771 = tpu.memref_slice %arg4[%add3A_767, %dma_wait3A_770] : memref<204800x128xf32, #tpu.memory_space<hbm>> -> memref<128x128xf32, #tpu.memory_space<hbm>>
          tpu.wait_dma2 semaphore(%arg26 : memref<!tpu.dma_semaphore, #tpu.memory_space<semaphore_mem>>) src(%arg10 : memref<128x128xf32, #tpu.memory_space<vmem>>) dst(%dma_wait3A_771 : memref<128x128xf32, #tpu.memory_space<hbm>>)
        } else {
        }
        %add3A_705 = arith.constant 12 : i32
        %add3A_706 = arith.addi %add3A_119, %add3A_705 : i32
        %jit3A_707 = arith.constant 2 : i32
        %div3A_708 = arith.divsi %add3A_706, %jit3A_707 : i32
        %sign3A_709 = arith.constant 0 : i32
        %sign3A_710 = arith.cmpi sgt, %add3A_706, %sign3A_709 : i32
        %sign3A_711 = arith.extui %sign3A_710 : i1 to i32
        %sign3A_712 = arith.constant 0 : i32
        %sign3A_713 = arith.cmpi slt, %add3A_706, %sign3A_712 : i32
        %sign3A_714 = arith.extui %sign3A_713 : i1 to i32
        %sign3A_715 = arith.subi %sign3A_711, %sign3A_714 : i32
        %sign3A_716 = arith.constant 0 : i32
        %sign3A_717 = arith.cmpi sgt, %jit3A_707, %sign3A_716 : i32
        %sign3A_718 = arith.extui %sign3A_717 : i1 to i32
        %sign3A_719 = arith.constant 0 : i32
        %sign3A_720 = arith.cmpi slt, %jit3A_707, %sign3A_719 : i32
        %sign3A_721 = arith.extui %sign3A_720 : i1 to i32
        %sign3A_722 = arith.subi %sign3A_718, %sign3A_721 : i32
        %ne3A_723 = arith.cmpi ne, %sign3A_715, %sign3A_722 : i32
        %rem3A_724 = arith.remsi %add3A_706, %jit3A_707 : i32
        %ne3A_725 = arith.constant 0 : i32
        %ne3A_726 = arith.cmpi ne, %rem3A_724, %ne3A_725 : i32
        %and3A_727 = arith.andi %ne3A_723, %ne3A_726 : i1
        %sub3A_728 = arith.constant 1 : i32
        %sub3A_729 = arith.subi %div3A_708, %sub3A_728 : i32
        %select_n3A_730 = arith.select %and3A_727, %sub3A_729, %div3A_708 : i32
        %dma_start3A_731 = arith.constant 0 : i32
        %dma_start3A_732 = tpu.memref_slice %arg5[%select_n3A_730, %dma_start3A_731] : memref<32x200xi32, #tpu.memory_space<vmem>> -> memref<1x128xi32, #tpu.memory_space<vmem>>
        %dma_start3A_733 = tpu.memref_squeeze %dma_start3A_732 : memref<1x128xi32, #tpu.memory_space<vmem>> -> memref<128xi32, #tpu.memory_space<vmem>>
        %dma_start3A_734 = arith.constant 0 : i32
        %dma_start3A_735 = arith.constant 0 : i32
        %dma_start3A_736 = tpu.memref_slice %arg3[%dma_start3A_734, %dma_start3A_735] : memref<100000x128xf32, #tpu.memory_space<hbm>> -> memref<100000x128xf32, #tpu.memory_space<hbm>>
        tpu.enqueue_indirect_dma source(%dma_start3A_736 : memref<100000x128xf32, #tpu.memory_space<hbm>>) target(%arg10 : memref<128x128xf32, #tpu.memory_space<vmem>>) offsets(%dma_start3A_733 : memref<128xi32, #tpu.memory_space<vmem>>) semaphore(%arg18 : memref<!tpu.dma_semaphore, #tpu.memory_space<semaphore_mem>>)
      } else {
      }
      %add3A_560 = arith.constant 6 : i32
      %add3A_561 = arith.addi %add3A_119, %add3A_560 : i32
      %jit3A_562 = arith.constant 2 : i32
      %div3A_563 = arith.divsi %add3A_561, %jit3A_562 : i32
      %sign3A_564 = arith.constant 0 : i32
      %sign3A_565 = arith.cmpi sgt, %add3A_561, %sign3A_564 : i32
      %sign3A_566 = arith.extui %sign3A_565 : i1 to i32
      %sign3A_567 = arith.constant 0 : i32
      %sign3A_568 = arith.cmpi slt, %add3A_561, %sign3A_567 : i32
      %sign3A_569 = arith.extui %sign3A_568 : i1 to i32
      %sign3A_570 = arith.subi %sign3A_566, %sign3A_569 : i32
      %sign3A_571 = arith.constant 0 : i32
      %sign3A_572 = arith.cmpi sgt, %jit3A_562, %sign3A_571 : i32
      %sign3A_573 = arith.extui %sign3A_572 : i1 to i32
      %sign3A_574 = arith.constant 0 : i32
      %sign3A_575 = arith.cmpi slt, %jit3A_562, %sign3A_574 : i32
      %sign3A_576 = arith.extui %sign3A_575 : i1 to i32
      %sign3A_577 = arith.subi %sign3A_573, %sign3A_576 : i32
      %ne3A_578 = arith.cmpi ne, %sign3A_570, %sign3A_577 : i32
      %rem3A_579 = arith.remsi %add3A_561, %jit3A_562 : i32
      %ne3A_580 = arith.constant 0 : i32
      %ne3A_581 = arith.cmpi ne, %rem3A_579, %ne3A_580 : i32
      %and3A_582 = arith.andi %ne3A_578, %ne3A_581 : i1
      %sub3A_583 = arith.constant 1 : i32
      %sub3A_584 = arith.subi %div3A_563, %sub3A_583 : i32
      %select_n3A_585 = arith.select %and3A_582, %sub3A_584, %div3A_563 : i32
      %dma_wait3A_586 = arith.constant 0 : i32
      %dma_wait3A_587 = tpu.memref_slice %arg5[%select_n3A_585, %dma_wait3A_586] : memref<32x200xi32, #tpu.memory_space<vmem>> -> memref<1x128xi32, #tpu.memory_space<vmem>>
      %dma_wait3A_588 = tpu.memref_squeeze %dma_wait3A_587 : memref<1x128xi32, #tpu.memory_space<vmem>> -> memref<128xi32, #tpu.memory_space<vmem>>
      %dma_wait3A_589 = arith.constant 0 : i32
      %dma_wait3A_590 = arith.constant 0 : i32
      %dma_wait3A_591 = tpu.memref_slice %arg3[%dma_wait3A_589, %dma_wait3A_590] : memref<100000x128xf32, #tpu.memory_space<hbm>> -> memref<100000x128xf32, #tpu.memory_space<hbm>>
      tpu.wait_indirect_dma semaphore(%arg20 : memref<!tpu.dma_semaphore, #tpu.memory_space<semaphore_mem>>) src(%dma_wait3A_591 : memref<100000x128xf32, #tpu.memory_space<hbm>>) dst(%arg12 : memref<128x128xf32, #tpu.memory_space<vmem>>)
      %add3A_592 = arith.constant 6 : i32
      %add3A_593 = arith.addi %add3A_119, %add3A_592 : i32
      %jit3A_594 = arith.constant 2 : i32
      %div3A_595 = arith.divsi %add3A_593, %jit3A_594 : i32
      %sign3A_596 = arith.constant 0 : i32
      %sign3A_597 = arith.cmpi sgt, %add3A_593, %sign3A_596 : i32
      %sign3A_598 = arith.extui %sign3A_597 : i1 to i32
      %sign3A_599 = arith.constant 0 : i32
      %sign3A_600 = arith.cmpi slt, %add3A_593, %sign3A_599 : i32
      %sign3A_601 = arith.extui %sign3A_600 : i1 to i32
      %sign3A_602 = arith.subi %sign3A_598, %sign3A_601 : i32
      %sign3A_603 = arith.constant 0 : i32
      %sign3A_604 = arith.cmpi sgt, %jit3A_594, %sign3A_603 : i32
      %sign3A_605 = arith.extui %sign3A_604 : i1 to i32
      %sign3A_606 = arith.constant 0 : i32
      %sign3A_607 = arith.cmpi slt, %jit3A_594, %sign3A_606 : i32
      %sign3A_608 = arith.extui %sign3A_607 : i1 to i32
      %sign3A_609 = arith.subi %sign3A_605, %sign3A_608 : i32
      %ne3A_610 = arith.cmpi ne, %sign3A_602, %sign3A_609 : i32
      %rem3A_611 = arith.remsi %add3A_593, %jit3A_594 : i32
      %ne3A_612 = arith.constant 0 : i32
      %ne3A_613 = arith.cmpi ne, %rem3A_611, %ne3A_612 : i32
      %and3A_614 = arith.andi %ne3A_610, %ne3A_613 : i1
      %sub3A_615 = arith.constant 1 : i32
      %sub3A_616 = arith.subi %div3A_595, %sub3A_615 : i32
      %select_n3A_617 = arith.select %and3A_614, %sub3A_616, %div3A_595 : i32
      %mul3A_618 = arith.constant 200 : i32
      %mul3A_619 = arith.muli %select_n3A_617, %mul3A_618 : i32
      %add3A_620 = arith.addi %mul3A_4, %mul3A_619 : i32
      %add3A_621 = arith.constant 0 : i32
      %add3A_622 = arith.addi %add3A_620, %add3A_621 : i32
      %dma_start3A_623 = arith.constant 0 : i32
      %dma_start3A_624 = tpu.memref_slice %arg4[%add3A_622, %dma_start3A_623] : memref<204800x128xf32, #tpu.memory_space<hbm>> -> memref<128x128xf32, #tpu.memory_space<hbm>>
      %dma_start3A_625 = arith.constant 0 : i32
      %dma_start3A_626 = tpu.memref_slice %arg4[%add3A_622, %dma_start3A_625] : memref<204800x128xf32, #tpu.memory_space<hbm>> -> memref<128x128xf32, #tpu.memory_space<hbm>>
      tpu.enqueue_dma source(%arg12 : memref<128x128xf32, #tpu.memory_space<vmem>>) target(%dma_start3A_626 : memref<128x128xf32, #tpu.memory_space<hbm>>) target_semaphore(%arg28 : memref<!tpu.dma_semaphore, #tpu.memory_space<semaphore_mem>>)
      %add3A_627 = arith.constant 13 : i32
      %add3A_628 = arith.addi %add3A_119, %add3A_627 : i32
      %lt3A_629 = arith.constant 64 : i32
      %lt3A_630 = arith.cmpi slt, %add3A_628, %lt3A_629 : i32
      %convert_element_type3A_631 = arith.extui %lt3A_630 : i1 to i32
      %cond3A_632 = arith.constant 0 : i32
      %cond3A_633 = arith.cmpi ne, %convert_element_type3A_631, %cond3A_632 : i32
      scf.if %cond3A_633 {
        %ge3A = arith.constant 8 : i32
        %ge3A_701 = arith.cmpi sge, %add3A_628, %ge3A : i32
        %convert_element_type3A_702 = arith.extui %ge3A_701 : i1 to i32
        %cond3A_703 = arith.constant 0 : i32
        %cond3A_704 = arith.cmpi ne, %convert_element_type3A_702, %cond3A_703 : i32
        scf.if %cond3A_704 {
          %add3A_737 = arith.constant 5 : i32
          %add3A_738 = arith.addi %add3A_119, %add3A_737 : i32
          %jit3A_739 = arith.constant 2 : i32
          %div3A_740 = arith.divsi %add3A_738, %jit3A_739 : i32
          %sign3A_741 = arith.constant 0 : i32
          %sign3A_742 = arith.cmpi sgt, %add3A_738, %sign3A_741 : i32
          %sign3A_743 = arith.extui %sign3A_742 : i1 to i32
          %sign3A_744 = arith.constant 0 : i32
          %sign3A_745 = arith.cmpi slt, %add3A_738, %sign3A_744 : i32
          %sign3A_746 = arith.extui %sign3A_745 : i1 to i32
          %sign3A_747 = arith.subi %sign3A_743, %sign3A_746 : i32
          %sign3A_748 = arith.constant 0 : i32
          %sign3A_749 = arith.cmpi sgt, %jit3A_739, %sign3A_748 : i32
          %sign3A_750 = arith.extui %sign3A_749 : i1 to i32
          %sign3A_751 = arith.constant 0 : i32
          %sign3A_752 = arith.cmpi slt, %jit3A_739, %sign3A_751 : i32
          %sign3A_753 = arith.extui %sign3A_752 : i1 to i32
          %sign3A_754 = arith.subi %sign3A_750, %sign3A_753 : i32
          %ne3A_755 = arith.cmpi ne, %sign3A_747, %sign3A_754 : i32
          %rem3A_756 = arith.remsi %add3A_738, %jit3A_739 : i32
          %ne3A_757 = arith.constant 0 : i32
          %ne3A_758 = arith.cmpi ne, %rem3A_756, %ne3A_757 : i32
          %and3A_759 = arith.andi %ne3A_755, %ne3A_758 : i1
          %sub3A_760 = arith.constant 1 : i32
          %sub3A_761 = arith.subi %div3A_740, %sub3A_760 : i32
          %select_n3A_762 = arith.select %and3A_759, %sub3A_761, %div3A_740 : i32
          %mul3A_763 = arith.constant 200 : i32
          %mul3A_764 = arith.muli %select_n3A_762, %mul3A_763 : i32
          %add3A_765 = arith.addi %mul3A_4, %mul3A_764 : i32
          %add3A_766 = arith.constant 128 : i32
          %add3A_767 = arith.addi %add3A_765, %add3A_766 : i32
          %dma_wait3A_768 = arith.constant 0 : i32
          %dma_wait3A_769 = tpu.memref_slice %arg4[%add3A_767, %dma_wait3A_768] : memref<204800x128xf32, #tpu.memory_space<hbm>> -> memref<72x128xf32, #tpu.memory_space<hbm>>
          %dma_wait3A_770 = arith.constant 0 : i32
          %dma_wait3A_771 = tpu.memref_slice %arg4[%add3A_767, %dma_wait3A_770] : memref<204800x128xf32, #tpu.memory_space<hbm>> -> memref<72x128xf32, #tpu.memory_space<hbm>>
          tpu.wait_dma2 semaphore(%arg27 : memref<!tpu.dma_semaphore, #tpu.memory_space<semaphore_mem>>) src(%arg11 : memref<72x128xf32, #tpu.memory_space<vmem>>) dst(%dma_wait3A_771 : memref<72x128xf32, #tpu.memory_space<hbm>>)
        } else {
        }
        %add3A_705 = arith.constant 13 : i32
        %add3A_706 = arith.addi %add3A_119, %add3A_705 : i32
        %jit3A_707 = arith.constant 2 : i32
        %div3A_708 = arith.divsi %add3A_706, %jit3A_707 : i32
        %sign3A_709 = arith.constant 0 : i32
        %sign3A_710 = arith.cmpi sgt, %add3A_706, %sign3A_709 : i32
        %sign3A_711 = arith.extui %sign3A_710 : i1 to i32
        %sign3A_712 = arith.constant 0 : i32
        %sign3A_713 = arith.cmpi slt, %add3A_706, %sign3A_712 : i32
        %sign3A_714 = arith.extui %sign3A_713 : i1 to i32
        %sign3A_715 = arith.subi %sign3A_711, %sign3A_714 : i32
        %sign3A_716 = arith.constant 0 : i32
        %sign3A_717 = arith.cmpi sgt, %jit3A_707, %sign3A_716 : i32
        %sign3A_718 = arith.extui %sign3A_717 : i1 to i32
        %sign3A_719 = arith.constant 0 : i32
        %sign3A_720 = arith.cmpi slt, %jit3A_707, %sign3A_719 : i32
        %sign3A_721 = arith.extui %sign3A_720 : i1 to i32
        %sign3A_722 = arith.subi %sign3A_718, %sign3A_721 : i32
        %ne3A_723 = arith.cmpi ne, %sign3A_715, %sign3A_722 : i32
        %rem3A_724 = arith.remsi %add3A_706, %jit3A_707 : i32
        %ne3A_725 = arith.constant 0 : i32
        %ne3A_726 = arith.cmpi ne, %rem3A_724, %ne3A_725 : i32
        %and3A_727 = arith.andi %ne3A_723, %ne3A_726 : i1
        %sub3A_728 = arith.constant 1 : i32
        %sub3A_729 = arith.subi %div3A_708, %sub3A_728 : i32
        %select_n3A_730 = arith.select %and3A_727, %sub3A_729, %div3A_708 : i32
        %dma_start3A_731 = arith.constant 128 : i32
        %dma_start3A_732 = tpu.memref_slice %arg5[%select_n3A_730, %dma_start3A_731] : memref<32x200xi32, #tpu.memory_space<vmem>> -> memref<1x72xi32, #tpu.memory_space<vmem>>
        %dma_start3A_733 = tpu.memref_squeeze %dma_start3A_732 : memref<1x72xi32, #tpu.memory_space<vmem>> -> memref<72xi32, #tpu.memory_space<vmem>>
        %dma_start3A_734 = arith.constant 0 : i32
        %dma_start3A_735 = arith.constant 0 : i32
        %dma_start3A_736 = tpu.memref_slice %arg3[%dma_start3A_734, %dma_start3A_735] : memref<100000x128xf32, #tpu.memory_space<hbm>> -> memref<100000x128xf32, #tpu.memory_space<hbm>>
        tpu.enqueue_indirect_dma source(%dma_start3A_736 : memref<100000x128xf32, #tpu.memory_space<hbm>>) target(%arg11 : memref<72x128xf32, #tpu.memory_space<vmem>>) offsets(%dma_start3A_733 : memref<72xi32, #tpu.memory_space<vmem>>) semaphore(%arg19 : memref<!tpu.dma_semaphore, #tpu.memory_space<semaphore_mem>>)
      } else {
      }
      %add3A_634 = arith.constant 7 : i32
      %add3A_635 = arith.addi %add3A_119, %add3A_634 : i32
      %jit3A_636 = arith.constant 2 : i32
      %div3A_637 = arith.divsi %add3A_635, %jit3A_636 : i32
      %sign3A_638 = arith.constant 0 : i32
      %sign3A_639 = arith.cmpi sgt, %add3A_635, %sign3A_638 : i32
      %sign3A_640 = arith.extui %sign3A_639 : i1 to i32
      %sign3A_641 = arith.constant 0 : i32
      %sign3A_642 = arith.cmpi slt, %add3A_635, %sign3A_641 : i32
      %sign3A_643 = arith.extui %sign3A_642 : i1 to i32
      %sign3A_644 = arith.subi %sign3A_640, %sign3A_643 : i32
      %sign3A_645 = arith.constant 0 : i32
      %sign3A_646 = arith.cmpi sgt, %jit3A_636, %sign3A_645 : i32
      %sign3A_647 = arith.extui %sign3A_646 : i1 to i32
      %sign3A_648 = arith.constant 0 : i32
      %sign3A_649 = arith.cmpi slt, %jit3A_636, %sign3A_648 : i32
      %sign3A_650 = arith.extui %sign3A_649 : i1 to i32
      %sign3A_651 = arith.subi %sign3A_647, %sign3A_650 : i32
      %ne3A_652 = arith.cmpi ne, %sign3A_644, %sign3A_651 : i32
      %rem3A_653 = arith.remsi %add3A_635, %jit3A_636 : i32
      %ne3A_654 = arith.constant 0 : i32
      %ne3A_655 = arith.cmpi ne, %rem3A_653, %ne3A_654 : i32
      %and3A_656 = arith.andi %ne3A_652, %ne3A_655 : i1
      %sub3A_657 = arith.constant 1 : i32
      %sub3A_658 = arith.subi %div3A_637, %sub3A_657 : i32
      %select_n3A_659 = arith.select %and3A_656, %sub3A_658, %div3A_637 : i32
      %dma_wait3A_660 = arith.constant 128 : i32
      %dma_wait3A_661 = tpu.memref_slice %arg5[%select_n3A_659, %dma_wait3A_660] : memref<32x200xi32, #tpu.memory_space<vmem>> -> memref<1x72xi32, #tpu.memory_space<vmem>>
      %dma_wait3A_662 = tpu.memref_squeeze %dma_wait3A_661 : memref<1x72xi32, #tpu.memory_space<vmem>> -> memref<72xi32, #tpu.memory_space<vmem>>
      %dma_wait3A_663 = arith.constant 0 : i32
      %dma_wait3A_664 = arith.constant 0 : i32
      %dma_wait3A_665 = tpu.memref_slice %arg3[%dma_wait3A_663, %dma_wait3A_664] : memref<100000x128xf32, #tpu.memory_space<hbm>> -> memref<100000x128xf32, #tpu.memory_space<hbm>>
      tpu.wait_indirect_dma semaphore(%arg21 : memref<!tpu.dma_semaphore, #tpu.memory_space<semaphore_mem>>) src(%dma_wait3A_665 : memref<100000x128xf32, #tpu.memory_space<hbm>>) dst(%arg13 : memref<72x128xf32, #tpu.memory_space<vmem>>)
      %add3A_666 = arith.constant 7 : i32
      %add3A_667 = arith.addi %add3A_119, %add3A_666 : i32
      %jit3A_668 = arith.constant 2 : i32
      %div3A_669 = arith.divsi %add3A_667, %jit3A_668 : i32
      %sign3A_670 = arith.constant 0 : i32
      %sign3A_671 = arith.cmpi sgt, %add3A_667, %sign3A_670 : i32
      %sign3A_672 = arith.extui %sign3A_671 : i1 to i32
      %sign3A_673 = arith.constant 0 : i32
      %sign3A_674 = arith.cmpi slt, %add3A_667, %sign3A_673 : i32
      %sign3A_675 = arith.extui %sign3A_674 : i1 to i32
      %sign3A_676 = arith.subi %sign3A_672, %sign3A_675 : i32
      %sign3A_677 = arith.constant 0 : i32
      %sign3A_678 = arith.cmpi sgt, %jit3A_668, %sign3A_677 : i32
      %sign3A_679 = arith.extui %sign3A_678 : i1 to i32
      %sign3A_680 = arith.constant 0 : i32
      %sign3A_681 = arith.cmpi slt, %jit3A_668, %sign3A_680 : i32
      %sign3A_682 = arith.extui %sign3A_681 : i1 to i32
      %sign3A_683 = arith.subi %sign3A_679, %sign3A_682 : i32
      %ne3A_684 = arith.cmpi ne, %sign3A_676, %sign3A_683 : i32
      %rem3A_685 = arith.remsi %add3A_667, %jit3A_668 : i32
      %ne3A_686 = arith.constant 0 : i32
      %ne3A_687 = arith.cmpi ne, %rem3A_685, %ne3A_686 : i32
      %and3A_688 = arith.andi %ne3A_684, %ne3A_687 : i1
      %sub3A_689 = arith.constant 1 : i32
      %sub3A_690 = arith.subi %div3A_669, %sub3A_689 : i32
      %select_n3A_691 = arith.select %and3A_688, %sub3A_690, %div3A_669 : i32
      %mul3A_692 = arith.constant 200 : i32
      %mul3A_693 = arith.muli %select_n3A_691, %mul3A_692 : i32
      %add3A_694 = arith.addi %mul3A_4, %mul3A_693 : i32
      %add3A_695 = arith.constant 128 : i32
      %add3A_696 = arith.addi %add3A_694, %add3A_695 : i32
      %dma_start3A_697 = arith.constant 0 : i32
      %dma_start3A_698 = tpu.memref_slice %arg4[%add3A_696, %dma_start3A_697] : memref<204800x128xf32, #tpu.memory_space<hbm>> -> memref<72x128xf32, #tpu.memory_space<hbm>>
      %dma_start3A_699 = arith.constant 0 : i32
      %dma_start3A_700 = tpu.memref_slice %arg4[%add3A_696, %dma_start3A_699] : memref<204800x128xf32, #tpu.memory_space<hbm>> -> memref<72x128xf32, #tpu.memory_space<hbm>>
      tpu.enqueue_dma source(%arg13 : memref<72x128xf32, #tpu.memory_space<vmem>>) target(%dma_start3A_700 : memref<72x128xf32, #tpu.memory_space<hbm>>) target_semaphore(%arg29 : memref<!tpu.dma_semaphore, #tpu.memory_space<semaphore_mem>>)
    }
    %scan3A_51 = arith.constant 8 : i32
    %add3A_52 = arith.constant 5600 : i32
    %add3A_53 = arith.addi %mul3A_4, %add3A_52 : i32
    %add3A_54 = arith.constant 0 : i32
    %add3A_55 = arith.addi %add3A_53, %add3A_54 : i32
    %dma_wait3A = arith.constant 0 : i32
    %dma_wait3A_56 = tpu.memref_slice %arg4[%add3A_55, %dma_wait3A] : memref<204800x128xf32, #tpu.memory_space<hbm>> -> memref<128x128xf32, #tpu.memory_space<hbm>>
    %dma_wait3A_57 = arith.constant 0 : i32
    %dma_wait3A_58 = tpu.memref_slice %arg4[%add3A_55, %dma_wait3A_57] : memref<204800x128xf32, #tpu.memory_space<hbm>> -> memref<128x128xf32, #tpu.memory_space<hbm>>
    tpu.wait_dma2 semaphore(%arg22 : memref<!tpu.dma_semaphore, #tpu.memory_space<semaphore_mem>>) src(%arg6 : memref<128x128xf32, #tpu.memory_space<vmem>>) dst(%dma_wait3A_58 : memref<128x128xf32, #tpu.memory_space<hbm>>)
    %add3A_59 = arith.constant 5600 : i32
    %add3A_60 = arith.addi %mul3A_4, %add3A_59 : i32
    %add3A_61 = arith.constant 128 : i32
    %add3A_62 = arith.addi %add3A_60, %add3A_61 : i32
    %dma_wait3A_63 = arith.constant 0 : i32
    %dma_wait3A_64 = tpu.memref_slice %arg4[%add3A_62, %dma_wait3A_63] : memref<204800x128xf32, #tpu.memory_space<hbm>> -> memref<72x128xf32, #tpu.memory_space<hbm>>
    %dma_wait3A_65 = arith.constant 0 : i32
    %dma_wait3A_66 = tpu.memref_slice %arg4[%add3A_62, %dma_wait3A_65] : memref<204800x128xf32, #tpu.memory_space<hbm>> -> memref<72x128xf32, #tpu.memory_space<hbm>>
    tpu.wait_dma2 semaphore(%arg23 : memref<!tpu.dma_semaphore, #tpu.memory_space<semaphore_mem>>) src(%arg7 : memref<72x128xf32, #tpu.memory_space<vmem>>) dst(%dma_wait3A_66 : memref<72x128xf32, #tpu.memory_space<hbm>>)
    %add3A_67 = arith.constant 5800 : i32
    %add3A_68 = arith.addi %mul3A_4, %add3A_67 : i32
    %add3A_69 = arith.constant 0 : i32
    %add3A_70 = arith.addi %add3A_68, %add3A_69 : i32
    %dma_wait3A_71 = arith.constant 0 : i32
    %dma_wait3A_72 = tpu.memref_slice %arg4[%add3A_70, %dma_wait3A_71] : memref<204800x128xf32, #tpu.memory_space<hbm>> -> memref<128x128xf32, #tpu.memory_space<hbm>>
    %dma_wait3A_73 = arith.constant 0 : i32
    %dma_wait3A_74 = tpu.memref_slice %arg4[%add3A_70, %dma_wait3A_73] : memref<204800x128xf32, #tpu.memory_space<hbm>> -> memref<128x128xf32, #tpu.memory_space<hbm>>
    tpu.wait_dma2 semaphore(%arg24 : memref<!tpu.dma_semaphore, #tpu.memory_space<semaphore_mem>>) src(%arg8 : memref<128x128xf32, #tpu.memory_space<vmem>>) dst(%dma_wait3A_74 : memref<128x128xf32, #tpu.memory_space<hbm>>)
    %add3A_75 = arith.constant 5800 : i32
    %add3A_76 = arith.addi %mul3A_4, %add3A_75 : i32
    %add3A_77 = arith.constant 128 : i32
    %add3A_78 = arith.addi %add3A_76, %add3A_77 : i32
    %dma_wait3A_79 = arith.constant 0 : i32
    %dma_wait3A_80 = tpu.memref_slice %arg4[%add3A_78, %dma_wait3A_79] : memref<204800x128xf32, #tpu.memory_space<hbm>> -> memref<72x128xf32, #tpu.memory_space<hbm>>
    %dma_wait3A_81 = arith.constant 0 : i32
    %dma_wait3A_82 = tpu.memref_slice %arg4[%add3A_78, %dma_wait3A_81] : memref<204800x128xf32, #tpu.memory_space<hbm>> -> memref<72x128xf32, #tpu.memory_space<hbm>>
    tpu.wait_dma2 semaphore(%arg25 : memref<!tpu.dma_semaphore, #tpu.memory_space<semaphore_mem>>) src(%arg9 : memref<72x128xf32, #tpu.memory_space<vmem>>) dst(%dma_wait3A_82 : memref<72x128xf32, #tpu.memory_space<hbm>>)
    %add3A_83 = arith.constant 6000 : i32
    %add3A_84 = arith.addi %mul3A_4, %add3A_83 : i32
    %add3A_85 = arith.constant 0 : i32
    %add3A_86 = arith.addi %add3A_84, %add3A_85 : i32
    %dma_wait3A_87 = arith.constant 0 : i32
    %dma_wait3A_88 = tpu.memref_slice %arg4[%add3A_86, %dma_wait3A_87] : memref<204800x128xf32, #tpu.memory_space<hbm>> -> memref<128x128xf32, #tpu.memory_space<hbm>>
    %dma_wait3A_89 = arith.constant 0 : i32
    %dma_wait3A_90 = tpu.memref_slice %arg4[%add3A_86, %dma_wait3A_89] : memref<204800x128xf32, #tpu.memory_space<hbm>> -> memref<128x128xf32, #tpu.memory_space<hbm>>
    tpu.wait_dma2 semaphore(%arg26 : memref<!tpu.dma_semaphore, #tpu.memory_space<semaphore_mem>>) src(%arg10 : memref<128x128xf32, #tpu.memory_space<vmem>>) dst(%dma_wait3A_90 : memref<128x128xf32, #tpu.memory_space<hbm>>)
    %add3A_91 = arith.constant 6000 : i32
    %add3A_92 = arith.addi %mul3A_4, %add3A_91 : i32
    %add3A_93 = arith.constant 128 : i32
    %add3A_94 = arith.addi %add3A_92, %add3A_93 : i32
    %dma_wait3A_95 = arith.constant 0 : i32
    %dma_wait3A_96 = tpu.memref_slice %arg4[%add3A_94, %dma_wait3A_95] : memref<204800x128xf32, #tpu.memory_space<hbm>> -> memref<72x128xf32, #tpu.memory_space<hbm>>
    %dma_wait3A_97 = arith.constant 0 : i32
    %dma_wait3A_98 = tpu.memref_slice %arg4[%add3A_94, %dma_wait3A_97] : memref<204800x128xf32, #tpu.memory_space<hbm>> -> memref<72x128xf32, #tpu.memory_space<hbm>>
    tpu.wait_dma2 semaphore(%arg27 : memref<!tpu.dma_semaphore, #tpu.memory_space<semaphore_mem>>) src(%arg11 : memref<72x128xf32, #tpu.memory_space<vmem>>) dst(%dma_wait3A_98 : memref<72x128xf32, #tpu.memory_space<hbm>>)
    %add3A_99 = arith.constant 6200 : i32
    %add3A_100 = arith.addi %mul3A_4, %add3A_99 : i32
    %add3A_101 = arith.constant 0 : i32
    %add3A_102 = arith.addi %add3A_100, %add3A_101 : i32
    %dma_wait3A_103 = arith.constant 0 : i32
    %dma_wait3A_104 = tpu.memref_slice %arg4[%add3A_102, %dma_wait3A_103] : memref<204800x128xf32, #tpu.memory_space<hbm>> -> memref<128x128xf32, #tpu.memory_space<hbm>>
    %dma_wait3A_105 = arith.constant 0 : i32
    %dma_wait3A_106 = tpu.memref_slice %arg4[%add3A_102, %dma_wait3A_105] : memref<204800x128xf32, #tpu.memory_space<hbm>> -> memref<128x128xf32, #tpu.memory_space<hbm>>
    tpu.wait_dma2 semaphore(%arg28 : memref<!tpu.dma_semaphore, #tpu.memory_space<semaphore_mem>>) src(%arg12 : memref<128x128xf32, #tpu.memory_space<vmem>>) dst(%dma_wait3A_106 : memref<128x128xf32, #tpu.memory_space<hbm>>)
    %add3A_107 = arith.constant 6200 : i32
    %add3A_108 = arith.addi %mul3A_4, %add3A_107 : i32
    %add3A_109 = arith.constant 128 : i32
    %add3A_110 = arith.addi %add3A_108, %add3A_109 : i32
    %dma_wait3A_111 = arith.constant 0 : i32
    %dma_wait3A_112 = tpu.memref_slice %arg4[%add3A_110, %dma_wait3A_111] : memref<204800x128xf32, #tpu.memory_space<hbm>> -> memref<72x128xf32, #tpu.memory_space<hbm>>
    %dma_wait3A_113 = arith.constant 0 : i32
    %dma_wait3A_114 = tpu.memref_slice %arg4[%add3A_110, %dma_wait3A_113] : memref<204800x128xf32, #tpu.memory_space<hbm>> -> memref<72x128xf32, #tpu.memory_space<hbm>>
    tpu.wait_dma2 semaphore(%arg29 : memref<!tpu.dma_semaphore, #tpu.memory_space<semaphore_mem>>) src(%arg13 : memref<72x128xf32, #tpu.memory_space<vmem>>) dst(%dma_wait3A_114 : memref<72x128xf32, #tpu.memory_space<hbm>>)
    return
  }
}

</mosaic_0001>

<sc_bundles>
// kernel: kernel.3.cloned.1.call-start
scs
__scs_entry_jumppad:
0x0: {  	(pc) =	sbr.rel $0x88, $3  }
0x1: {  	(tag) =	ssettag $0x0;
	lr =	simm.s32 $0x1  }
0x2: {  	[smem:$0x3F9F] =	sst lr;
	_ =	strace $0xD0000000  }
0x3: {  	_ = 	snop  }
0x4: {  	_ = 	snop  }
0x5: {  	_ = 	snop  }
0x6: {  	_ = 	snop  }
0x7: {  	_ = 	snop  }
__scs_overlays_trampoline_lowered:
0x8: {  	[smem:$0x3FAE] =	sst s0  }
0x9: {  	[smem:$0x3FAF] =	sst s1  }
0xa: {  	[smem:$0x3FB0] =	sst s2  }
0xb: {  	[smem:$0x3FB1] =	sst s3  }
0xc: {  	[smem:$0x3FB2] =	sst s4  }
0xd: {  	[smem:$0x3FB3] =	sst s5  }
0xe: {  	[smem:$0x3FB4] =	sst s6  }
0xf: {  	[smem:$0x3FB5] =	sst s7  }
0x10: {  	[smem:$0x3FB6] =	sst s8  }
0x11: {  	[smem:$0x3FB7] =	sst s9;
	s0 =	simm.s32 @!p0 $0x0  }
0x12: {  	s1 =	sld [smem:$0x3F9D];
	s0 =	simm.s32 @p0 $0x1  }
0x13: {  	[smem:$0x3FB8] =	sst s0;
	s0 =	simm.s32 @!p1 $0x0  }
0x14: {  	s2 =	sld [smem:$0x3F9C];
	s0 =	simm.s32 @p1 $0x1  }
0x15: {  	[smem:$0x3FB9] =	sst s0;
	s0 =	simm.s32 @!p2 $0x0  }
0x16: {  	s3 =	sld [smem:$0x3FDB];
	s0 =	simm.s32 @p2 $0x1  }
0x17: {  	s4 =	simm.s32 $0x1BF5;
	[smem:$0x3FBB] =	sst s0  }
0x18: {  	s0 =	sld [smem:$0x3F9E];
	_ =	swait.ge [sflag:s4], $0x0  }
0x19: {  	s7 =	sld [smem:$0x3F9F]  }
0x1a: {  	s8 =	sadd.s32 $0xFFFFE003, lr  }
0x1b: {  	s9 =	sadd.s32 $0xFFFFFEF7, lr;
	s5 =	simm.s32 $0xFFFFFFFF;
	p2 =	slt.u32 s8, $0xFFFFF086  }
0x1c: {  	p1 =	slt.u32 s9, $0xF7A;
	s5 =	simm.s32 @!p2 $0x0  }
0x1d: {  	s5 =	simm.s32 @p1 $0x1;
	p0 =	seq.s32 s7, s2  }
0x1e: {  	s7 =	smul.u32 @!p0 $0xF7A, s2;
	p2 =	seq.s32 @!p0 s5, $0x0  }
0x1f: {  	s9 =	smul.u32 $0xF7A, s1;
	s8 =	simm.s32 @!p0 $0x1BF5;
	p2 =	por !p2, p0  }
0x20: {  	[sflag:s8] =	ssyncset.s32 @!p0 $0xFFFFF086;
	s6 =	sadd.s32 @!p0 s3, s7;
	s7 =	simm.s32 @!p0 $0x108  }
0x21: {  	s3 =	sadd.s32 s3, s9;
	s6 =	sadd.s32 @!p0 $0x88, s6;
	s7 =	simm.s32 @p2 $0x1082  }
0x22: {  	[simem:s7], [sflag:s8] =	dma.local @!p0 [hbm:s6], $0xF7A  }
0x23: {  	s9 =	sor.u32 $0xD0000000, s2;
	s6 =	simm.s32 $0x108;
	_ =	swait.ge @!p0 [sflag:s8], $0x0  }
0x24: {  	s3 =	sadd.s32 $0x88, s3;
	s6 =	simm.s32 @!p1 $0x1082;
	[sflag:s4] =	ssyncset.s32 $0xFFFFF086  }
0x25: {  	[simem:s6], [sflag:s4] =	dma.local [hbm:s3], $0xF7A  }
0x26: {  	[smem:$0x3F9F] =	sst s1;
	(tag) =	ssettag s2;
	_ =	strace s9  }
0x27: {  	s1 =	sld [smem:$0x3FAF]  }
0x28: {  	s2 =	sld [smem:$0x3FB0]  }
0x29: {  	s4 =	sld [smem:$0x3FB2]  }
0x2a: {  	p0 =	seq.s32 s5, $0x0;
	s5 =	sld [smem:$0x3FB3]  }
0x2b: {  	s6 =	sld [smem:$0x3FB4]  }
0x2c: {  	s7 =	sld [smem:$0x3FB5]  }
0x2d: {  	s3 =	simm.s32 $0x108;
	s8 =	sld [smem:$0x3FB6]  }
0x2e: {  	s3 =	simm.s32 @!p0 $0x1082;
	s9 =	sld [smem:$0x3FB7]  }
0x2f: {  	lr =	sadd.s32 s0, s3;
	s0 =	sld [smem:$0x3FAE]  }
0x30: {  	s3 =	sld [smem:$0x3FB1]  }
0x31: {  	[smem:$0x3FBA] =	sst s10  }
0x32: {  	s10 =	sld [smem:$0x3FB8];
	_ =	sdelay $0x3  }
0x33: {  	p0 =	seq.s32 s10, $0x1;
	s10 =	sld [smem:$0x3FBA];
	_ =	sdelay $0x3  }
0x34: {  	[smem:$0x3FBA] =	sst s10  }
0x35: {  	s10 =	sld [smem:$0x3FB9];
	_ =	sdelay $0x3  }
0x36: {  	p1 =	seq.s32 s10, $0x1;
	s10 =	sld [smem:$0x3FBA];
	_ =	sdelay $0x3  }
0x37: {  	[smem:$0x3FBA] =	sst s10  }
0x38: {  	s10 =	sld [smem:$0x3FBB]  }
0x39: {  	_ = 	snop;
	(pc) =	sbr.ind lr, $3  }
0x3a: {  	_ = 	snop  }
0x3b: {  	_ = 	snop  }
0x3c: {  	p2 =	seq.s32 s10, $0x1;
	s10 =	sld [smem:$0x3FBA]  }
0x3d: {  	_ =	shalt  }
0x3e: {  	_ =	shalt  }
0x3f: {  	_ =	shalt  }
0x40: {  	_ =	shalt  }
0x41: {  	_ =	shalt  }
0x42: {  	_ =	shalt  }
0x43: {  	_ =	shalt  }
0x44: {  	_ =	shalt  }
0x45: {  	_ =	shalt  }
0x46: {  	_ =	shalt  }
0x47: {  	_ =	shalt  }
0x48: {  	_ =	shalt  }
0x49: {  	_ =	shalt  }
0x4a: {  	_ =	shalt  }
0x4b: {  	_ =	shalt  }
0x4c: {  	_ =	shalt  }
0x4d: {  	_ =	shalt  }
0x4e: {  	_ =	shalt  }
0x4f: {  	_ =	shalt  }
0x50: {  	_ =	shalt  }
0x51: {  	_ =	shalt  }
0x52: {  	_ =	shalt  }
0x53: {  	_ =	shalt  }
0x54: {  	_ =	shalt  }
0x55: {  	_ =	shalt  }
0x56: {  	_ =	shalt  }
0x57: {  	_ =	shalt  }
0x58: {  	_ =	shalt  }
0x59: {  	_ =	shalt  }
0x5a: {  	_ =	shalt  }
0x5b: {  	_ =	shalt  }
0x5c: {  	_ =	shalt  }
0x5d: {  	_ =	shalt  }
0x5e: {  	_ =	shalt  }
0x5f: {  	_ =	shalt  }
0x60: {  	_ =	shalt  }
0x61: {  	_ =	shalt  }
0x62: {  	_ =	shalt  }
0x63: {  	_ =	shalt  }
0x64: {  	_ =	shalt  }
0x65: {  	_ =	shalt  }
0x66: {  	_ =	shalt  }
0x67: {  	_ =	shalt  }
0x68: {  	_ =	shalt  }
0x69: {  	_ =	shalt  }
0x6a: {  	_ =	shalt  }
0x6b: {  	_ =	shalt  }
0x6c: {  	_ =	shalt  }
0x6d: {  	_ =	shalt  }
0x6e: {  	_ =	shalt  }
0x6f: {  	_ =	shalt  }
0x70: {  	_ =	shalt  }
0x71: {  	_ =	shalt  }
0x72: {  	_ =	shalt  }
0x73: {  	_ =	shalt  }
0x74: {  	_ =	shalt  }
0x75: {  	_ =	shalt  }
0x76: {  	_ =	shalt  }
0x77: {  	_ =	shalt  }
0x78: {  	_ =	shalt  }
0x79: {  	_ =	shalt  }
0x7a: {  	_ =	shalt  }
0x7b: {  	_ =	shalt  }
0x7c: {  	_ =	shalt  }
0x7d: {  	_ =	shalt  }
0x7e: {  	_ =	shalt  }
0x7f: {  	_ =	shalt  }
0x80: {  	_ =	shalt  }
0x81: {  	_ =	shalt  }
0x82: {  	_ =	shalt  }
0x83: {  	_ =	shalt  }
0x84: {  	_ =	shalt  }
0x85: {  	_ =	shalt  }
0x86: {  	_ =	shalt  }
0x87: {  	_ =	shalt  }
.Lfunc_end0:
.L_simem_size_0:
called_computation_lowered:
.L_overlay_start_0:
0x88: {  	s2 =	sld [smem:$0x3FD9]  }
0x89: {  	s3 =	sld [smem:$0x3FFE];
	_ =	sdelay $0x1  }
0x8a: {  	s1 =	srdreg.scid  }
0x8b: {  	s0 =	sand.u32 $0x1, s1  }
0x8c: {  	s17 =	sshll.u32 s0, $0xA;
	s2 =	sadd.s32 s3, s2  }
0x8d: {  	s2 =	sadd.s32 s2, s17  }
0x8e: {  	[smem:$0x3FC6] =	sst s2  }
0x8f: {  	_ = 	snop  }
0x90: {  	s2 =	sld [smem:$0x3FC8]  }
0x91: {  	s18 =	sld [smem:$0x3FD0];
	(tm) =	ssettm $0x1  }
0x92: {  	s4 =	sld [smem:$0x3FFB];
	_ =	sdelay $0x3  }
0x93: {  	_ =	strace s4  }
0x94: {  	s4 =	sld [smem:$0x3FFC];
	_ =	sdelay $0x3  }
0x95: {  	_ =	strace s4  }
0x96: {  	s4 =	sld [smem:$0x3FFD];
	_ =	sdelay $0x3  }
0x97: {  	_ =	strace s4  }
0x98: {  	_ =	strace $0x8FFFFFFF  }
0x99: {  	s19 =	sld [smem:$0x3FDB];
	_ =	sdelay $0x1  }
0x9a: {  	s5 =	simm.s32 $_scs_section_size  }
0x9b: {  	s6 =	simm.s32 $_size__tile_overlayer_lowered;
	s7 =	simm.s32 $_tile_overlayer_lowered  }
0x9c: {  	s22 =	simm.s32 $0x1BFF;
	s21 =	sshll.u32 s7, $0x1;
	s4 =	sadd.s32 s5, s19  }
0x9d: {  	s8 =	simm.s32 $0x0;
	s20 =	sshll.u32 s6, $0x1;
	s6 =	sadd.s32 s21, s4  }
0x9e: {  	[timem:s8], [sflag:s22] =	dma.local [hbm:s6], s20  }
0x9f: {  	_ =	swait.ge [sflag:s22], s20  }
0xa0: {  	s5 =	ssub.s32 $0x0, s20;
	[sflag:s22] =	ssyncset.done $0x0  }
0xa1: {  	[sflag:s22] =	ssyncadd.s32 s5;
	_ =	sdelay $0x1  }
0xa2: {  	s23 =	simm.s32 $0x1B8B  }
0xa3: {  	_ =	swait.ge [sflag:s23], $0x1  }
0xa4: {  	[sflag:s23] =	ssyncset.done $0x0  }
0xa5: {  	s25 =	simm.s32 $0x1B8E;
	s24 =	sld [smem:$0x3FFE];
	[sflag:s23] =	ssyncadd.s32 $0xFFFFFFFF  }
0xa6: {  	s26 =	simm.s32 $execute0_lowered;
	[smem:$0x3FD2] =	sst s25  }
0xa7: {  	s6 =	sshll.u32 s26, $0x1;
	_ =	strace $0x80000046;
	[dreg:$0x1] =	wrdreg $0xFFFFFFFF  }
0xa8: {  	s28 =	simm.s32 $_size_execute0_lowered;
	s4 =	sadd.s32 s4, s6;
	[dreg:$0x0] =	wrdreg $0x0  }
0xa9: {  	s6 =	sshll.u32 s28, $0x1;
	[dreg:$0x2] =	wrdreg s4  }
0xaa: {  	[dreg:$0x3] =	wrdreg s6  }
0xab: {  	[dreg:$0x4] =	wrdreg $0xC0  }
0xac: {  	_ =	task [dreg:s8], $0x5FFFF  }
0xad: {  	[dreg:$0x1] =	wrdreg $0xFFFFFFFF  }
0xae: {  	[dreg:$0x0] =	wrdreg $0x60  }
0xaf: {  	[dreg:$0x2] =	wrdreg s24  }
0xb0: {  	[dreg:$0x3] =	wrdreg s2  }
0xb1: {  	[dreg:$0x4] =	wrdreg s18  }
0xb2: {  	[dreg:$0x5] =	wrdreg $0x9  }
0xb3: {  	_ =	task.clear_ibuf [dreg:s8], $0x6FFFF;
	_ =	strace $0x90000046  }
0xb4: {  	s29 =	simm.s32 $0x9;
	_ =	strace $0x80000048  }
0xb5: {  	_ =	swait.ge [sflag:s29], $0x1  }
0xb6: {  	[sflag:s29] =	ssyncadd.s32 $0xFFFFFFFF  }
0xb7: {  	_ =	strace $0x90000048  }
0xb8: {  	_ =	sfence  }
0xb9: {  	s30 =	sld [smem:$0x0];
	_ =	sdelay $0x2  }
0xba: {  	s31 =	sshll.u32 s1, $0xD;
	s1 =	sshrl.u32 s1, $0x2  }
0xbb: {  	s3 =	sand.u32 $0x4000, s31;
	s1 =	sadd.s32 s1, s30  }
0xbc: {  	s0 =	sor.u32 s3, s0;
	s1 =	sshll.u32 s1, $0x11  }
0xbd: {  	s0 =	sor.u32 s1, s0  }
0xbe: {  	s0 =	sadd.s32 $0x8F2B, s0  }
0xbf: {  	[sflag:s0] =	ssyncadd.remote.s32 $0x1  }
0xc0: {  	_ =	sfence.sel $0xFFFF  }
0xc1: {  	[dreg:$0x0] =	wrdreg $0xFFFFFFFF;
	(pc) =	sbr.abs _section_cstart, $3  }
0xc2: {  	[dreg:$0x1] =	wrdreg $0xFFFFFFFF  }
0xc3: {  	_ =	task.clear_ibuf [dreg:s8], $0x2FFFF;
	_ =	strace $0x9FFFFFFF  }
0xc4: {  	(tm) =	ssettm $0x7FFFFFFF  }
0xc5: {  	_ =	shalt  }
tec
execute0_lowered:
.L_overlay_start_1:
0x0: {  	(tag) =	ssettag $0x1  }
0x1: {  	s0 =	rddreg [dreg:$0x0]  }
0x2: {  	s1 =	rddreg [dreg:$0x1]  }
0x3: {  	s2 =	rddreg [dreg:$0x2];
	s3 =	simm.s32 $0x0  }
0x4: {  	s4 =	srdreg.scid;
	s8 =	stileid.u32;
	s19 =	simm.s32 $0x14C00  }
0x5: {  	s20 =	simm.s32 $0x1;
	s21 =	simm.s32 $0x18C00;
	s22 =	simm.s32 $0x2  }
0x6: {  	s23 =	simm.s32 $0x3;
	s24 =	simm.s32 $0x4;
	s28 =	simm.s32 $0x7  }
0x7: {  	s29 =	simm.s32 $0x8;
	s16 =	simm.s32 $0x48;
	s18 =	simm.s32 $0x6000  }
0x8: {  	s12 =	simm.s32 $0xE800;
	s14 =	simm.s32 $0x12800;
	[smem:$0x7FF] =	sst s3  }
0x9: {  	s4 =	sand.u32 $0x1, s4;
	s5 =	sshll.u32 s8, $0xB;
	s8 =	smul.u32 $0x32000, s8  }
0xa: {  	s6 =	sshll.u32 s4, $0xA;
	s7 =	ssub.s32 $0x2, s4;
	s4 =	smul.u32 $0x19000, s4  }
0xb: {  	_ =	strace $0x80000047;
	s5 =	sor.u32 s6, s5;
	s2 =	sadd.s32 s8, s2  }
0xc: {  	s25 =	sshrl.u32 s7, $0x1;
	s0 =	sadd.s32 s5, s0;
	s31 =	sadd.s32 s4, s2  }
0xd: {  	s26 =	ssub.s32 s7, s25;
	s0 =	sadd.s32 $0x400, s0;
	[dreg:$0x4] =	wrdreg s31  }
0xe: {  	s25 =	simm.s32 $0x5;
	s30 =	smax.u32 s26, $0x1;
	[dreg:$0x5] =	wrdreg s0  }
0xf: {  	s4 =	simm.s32 $0x0;
	s26 =	simm.s32 $0x6;
	[dreg:$0x6] =	wrdreg s30  }
.LBB2_1:
0x10: {  	[dreg:$0x7] =	wrdreg s4  }
0x11: {  	s0 =	rddreg [dreg:$0x5];
	s15 =	simm.s32 $0x11  }
0x12: {  	[tilespmem:s3], [sflag:$0x11] =	stream.linear.gather [hbm4b:s0+s3], $0x2000, $0x38;
	[tilespmem:$0x1B000] =	vst v63  }
0x13: {  	_ =	swait.ge [sflag:s15], $0x2000  }
0x14: {  	[sflag:s15] =	ssyncset.done $0x0  }
0x15: {  	s6 =	simm.s32 $0x80;
	s7 =	simm.s32 $0x2000;
	[sflag:s15] =	ssyncadd.s32 $0xFFFFE000  }
0x16: {  	[tilespmem:s7], [sflag:$0x1] =	stream.indirect.gather [hbm4b:s1+s6], $0x80, s3, s6, $0xb8;
	[tilespmem:$0x1B000] =	vst v63  }
0x17: {  	s8 =	simm.s32 $0x48;
	s17 =	simm.s32 $0x400;
	s9 =	simm.s32 $0x6000  }
0x18: {  	[tilespmem:s9], [sflag:$0x2] =	stream.indirect.gather [hbm4b:s1+s8], $0x80, s17, s8, $0xb8;
	[tilespmem:$0x1B000] =	vst v63  }
0x19: {  	s11 =	simm.s32 $0x8400  }
0x1a: {  	[tilespmem:s11], [sflag:$0x3] =	stream.indirect.gather [hbm4b:s1+s6], $0x80, s6, s6, $0xb8;
	[tilespmem:$0x1B000] =	vst v63  }
0x1b: {  	s2 =	simm.s32 $0x480;
	s13 =	simm.s32 $0xC400  }
0x1c: {  	[tilespmem:s13], [sflag:$0x4] =	stream.indirect.gather [hbm4b:s1+s8], $0x80, s2, s8, $0xb8;
	[tilespmem:$0x1B000] =	vst v63  }
0x1d: {  	s4 =	simm.s32 $0x100;
	p0 =	por $0x1, $0x1;
	s15 =	simm.s32 $0xE800  }
0x1e: {  	[tilespmem:s15], [sflag:$0x5] =	stream.indirect.gather [hbm4b:s1+s6], $0x80, s4, s6, $0xb8;
	[tilespmem:$0x1B000] =	vst v63  }
0x1f: {  	s5 =	simm.s32 $0x500;
	s0 =	simm.s32 @!p0 $0xF;
	s17 =	simm.s32 $0x12800  }
0x20: {  	[tilespmem:s17], [sflag:$0x6] =	stream.indirect.gather [hbm4b:s1+s8], $0x80, s5, s8, $0xb8;
	[tilespmem:$0x1B000] =	vst v63  }
0x21: {  	s2 =	simm.s32 $0x180;
	_ =	swait.ge @!p0 [sflag:s0], $0x4000  }
0x22: {  	s10 =	sand.u32 $0x1800, s3;
	s5 =	sand.u32 $0x380, s2;
	[sflag:s0] =	ssyncset.done @!p0 $0x0  }
0x23: {  	s2 =	sor.u32 s5, s10;
	[sflag:s0] =	ssyncadd.s32 @!p0 $0xFFFFC000  }
0x24: {  	[tilespmem:s19], [sflag:$0x7] =	stream.indirect.gather [hbm4b:s1+s6], $0x80, s2, s6, $0xb8;
	[tilespmem:$0x1B000] =	vst v63  }
0x25: {  	_ =	swait.ge [sflag:s20], $0x4000  }
0x26: {  	s6 =	rddreg [dreg:$0x4];
	[sflag:s20] =	ssyncset.done $0x0  }
0x27: {  	s0 =	simm.s32 @!p0 $0x10;
	[sflag:s20] =	ssyncadd.s32 $0xFFFFC000;
	s2 =	sadd.s32 $0x0, s6  }
0x28: {  	[hbm4b:s2+s3] =	stream.linear.scatter [tilespmem:s7], [sflag:$0x9], $0x4000, $0x38;
	[tilespmem:$0x1B000] =	vst v63  }
0x29: {  	_ =	swait.ge @!p0 [sflag:s0], $0x2400  }
0x2a: {  	s4 =	sadd.s32 s5, s10;
	[sflag:s0] =	ssyncset.done @!p0 $0x0  }
0x2b: {  	s4 =	sadd.s32 $0x400, s4;
	[sflag:s0] =	ssyncadd.s32 @!p0 $0xFFFFDC00  }
0x2c: {  	[tilespmem:s21], [sflag:$0x8] =	stream.indirect.gather [hbm4b:s1+s8], $0x80, s4, s8, $0xb8;
	[tilespmem:$0x1B000] =	vst v63  }
0x2d: {  	p0 =	por $0x0, $0x0;
	_ =	swait.ge [sflag:s22], $0x2400  }
0x2e: {  	s0 =	simm.s32 @!p0 $0x2000;
	[sflag:s22] =	ssyncset.done $0x0  }
0x2f: {  	s8 =	sadd.s32 $0x800, s2;
	s5 =	simm.s32 @!p0 $0x9;
	[sflag:s22] =	ssyncadd.s32 $0xFFFFDC00  }
0x30: {  	[hbm4b:s8+s3] =	stream.linear.scatter [tilespmem:s9], [sflag:$0xA], $0x2400, $0x38;
	[tilespmem:$0x1B000] =	vst v63  }
0x31: {  	s4 =	simm.s32 @!p0 $0x200;
	s6 =	simm.s32 @!p0 $0x400;
	_ =	swait.ge @!p0 [sflag:s5], $0x4000  }
0x32: {  	s4 =	sand.u32 @!p0 $0x200, s4;
	s6 =	sand.u32 @!p0 $0x3800, s6;
	[sflag:s5] =	ssyncset.done @!p0 $0x0  }
0x33: {  	s10 =	simm.s32 @!p0 $0x80;
	s4 =	sor.u32 @!p0 s4, s6;
	[sflag:s5] =	ssyncadd.s32 @!p0 $0xFFFFC000  }
0x34: {  	[tilespmem:s0], [sflag:$0x1] =	stream.indirect.gather @!p0 [hbm4b:s1+s10], $0x80, s4, s10, $0xb8;
	[tilespmem:$0x1B000] =	vst v63  }
0x35: {  	_ =	swait.ge [sflag:s23], $0x4000  }
0x36: {  	[sflag:s23] =	ssyncset.done $0x0  }
0x37: {  	s9 =	sadd.s32 $0xC80, s2;
	s5 =	simm.s32 @!p0 $0xA;
	[sflag:s23] =	ssyncadd.s32 $0xFFFFC000  }
0x38: {  	[hbm4b:s9+s3] =	stream.linear.scatter [tilespmem:s11], [sflag:$0xB], $0x4000, $0x38;
	[tilespmem:$0x1B000] =	vst v63  }
0x39: {  	_ =	swait.ge @!p0 [sflag:s5], $0x2400  }
0x3a: {  	s6 =	simm.s32 @!p0 $0x6000;
	[sflag:s5] =	ssyncset.done @!p0 $0x0  }
0x3b: {  	s4 =	sor.u32 @!p0 $0x400, s4;
	s0 =	simm.s32 @!p0 $0x48;
	[sflag:s5] =	ssyncadd.s32 @!p0 $0xFFFFDC00  }
0x3c: {  	[tilespmem:s6], [sflag:$0x2] =	stream.indirect.gather @!p0 [hbm4b:s1+s0], $0x80, s4, s0, $0xb8;
	[tilespmem:$0x1B000] =	vst v63  }
0x3d: {  	_ =	swait.ge [sflag:s24], $0x2400  }
0x3e: {  	[sflag:s24] =	ssyncset.done $0x0  }
0x3f: {  	s11 =	sadd.s32 $0x1480, s2;
	s5 =	simm.s32 @!p0 $0xB;
	[sflag:s24] =	ssyncadd.s32 $0xFFFFDC00  }
0x40: {  	[hbm4b:s11+s3] =	stream.linear.scatter [tilespmem:s13], [sflag:$0xC], $0x2400, $0x38;
	[tilespmem:$0x1B000] =	vst v63  }
0x41: {  	s4 =	simm.s32 @!p0 $0x280;
	s6 =	simm.s32 @!p0 $0x500;
	_ =	swait.ge @!p0 [sflag:s5], $0x4000  }
0x42: {  	s6 =	sand.u32 @!p0 $0x3800, s6;
	s4 =	sand.u32 @!p0 $0x280, s4;
	[sflag:s5] =	ssyncset.done @!p0 $0x0  }
0x43: {  	s4 =	sor.u32 @!p0 s4, s6;
	s6 =	simm.s32 @!p0 $0x8400;
	[sflag:s5] =	ssyncadd.s32 @!p0 $0xFFFFC000  }
0x44: {  	[tilespmem:s6], [sflag:$0x3] =	stream.indirect.gather @!p0 [hbm4b:s1+s10], $0x80, s4, s10, $0xb8;
	[tilespmem:$0x1B000] =	vst v63  }
0x45: {  	_ =	swait.ge [sflag:s25], $0x4000  }
0x46: {  	[sflag:s25] =	ssyncset.done $0x0  }
0x47: {  	s13 =	sadd.s32 $0x1900, s2;
	s6 =	simm.s32 @!p0 $0xC;
	[sflag:s25] =	ssyncadd.s32 $0xFFFFC000  }
0x48: {  	[hbm4b:s13+s3] =	stream.linear.scatter [tilespmem:s15], [sflag:$0xD], $0x4000, $0x38;
	[tilespmem:$0x1B000] =	vst v63  }
0x49: {  	_ =	swait.ge @!p0 [sflag:s6], $0x2400  }
0x4a: {  	[sflag:s6] =	ssyncset.done @!p0 $0x0  }
0x4b: {  	s5 =	simm.s32 @!p0 $0xC400;
	s4 =	sor.u32 @!p0 $0x400, s4;
	[sflag:s6] =	ssyncadd.s32 @!p0 $0xFFFFDC00  }
0x4c: {  	[tilespmem:s5], [sflag:$0x4] =	stream.indirect.gather @!p0 [hbm4b:s1+s0], $0x80, s4, s0, $0xb8;
	[tilespmem:$0x1B000] =	vst v63  }
0x4d: {  	_ =	swait.ge [sflag:s26], $0x2400  }
0x4e: {  	s31 =	simm.s32 $0x3200;
	[sflag:s26] =	ssyncset.done $0x0  }
0x4f: {  	s15 =	sadd.s32 $0x2100, s2;
	s5 =	simm.s32 @!p0 $0xD;
	[sflag:s26] =	ssyncadd.s32 $0xFFFFDC00  }
0x50: {  	[hbm4b:s15+s3] =	stream.linear.scatter [tilespmem:s17], [sflag:$0xE], $0x2400, $0x38;
	[tilespmem:$0x1B000] =	vst v63  }
0x51: {  	s6 =	simm.s32 @!p0 $0x600;
	s4 =	simm.s32 $0x300;
	_ =	swait.ge @!p0 [sflag:s5], $0x4000  }
0x52: {  	s6 =	sand.u32 @!p0 $0x3800, s6;
	s4 =	sand.u32 @!p0 $0x300, s4;
	[sflag:s5] =	ssyncset.done @!p0 $0x0  }
0x53: {  	s4 =	sor.u32 @!p0 s4, s6;
	[sflag:s5] =	ssyncadd.s32 @!p0 $0xFFFFC000;
	s5 =	simm.s32 @!p0 $0xE800  }
0x54: {  	[tilespmem:s5], [sflag:$0x5] =	stream.indirect.gather @!p0 [hbm4b:s1+s10], $0x80, s4, s10, $0xb8;
	[tilespmem:$0x1B000] =	vst v63  }
0x55: {  	p2 =	por $0x0, $0x0;
	s30 =	simm.s32 $0x0;
	_ =	swait.ge [sflag:s28], $0x4000  }
0x56: {  	s6 =	simm.s32 $0x6400;
	s13 =	sor.u32 @!p0 $0x400, s4;
	[sflag:s28] =	ssyncset.done $0x0  }
0x57: {  	s17 =	sadd.s32 $0x2580, s2;
	s4 =	simm.s32 @!p0 $0xE;
	[sflag:s28] =	ssyncadd.s32 $0xFFFFC000  }
0x58: {  	[hbm4b:s17+s3] =	stream.linear.scatter [tilespmem:s19], [sflag:$0xF], $0x4000, $0x38;
	[tilespmem:$0x1B000] =	vst v63  }
0x59: {  	s2 =	sadd.s32 $0x2D80, s2;
	s5 =	simm.s32 $0x500;
	_ =	swait.ge @!p0 [sflag:s4], $0x2400  }
.LBB2_2:
0x5a: {  	[sflag:s4] =	ssyncset.done @!p0 $0x0  }
0x5b: {  	[sflag:s4] =	ssyncadd.s32 @!p0 $0xFFFFDC00;
	s4 =	simm.s32 @!p0 $0x12800  }
0x5c: {  	[tilespmem:s4], [sflag:$0x6] =	stream.indirect.gather @!p0 [hbm4b:s1+s0], $0x80, s13, s0, $0xb8;
	[tilespmem:$0x1B000] =	vst v63  }
0x5d: {  	_ =	swait.ge [sflag:s29], $0x2400  }
0x5e: {  	[sflag:s29] =	ssyncset.done $0x0  }
0x5f: {  	s4 =	simm.s32 @!p2 $0xF;
	[sflag:s29] =	ssyncadd.s32 $0xFFFFDC00  }
0x60: {  	[hbm4b:s2+s3] =	stream.linear.scatter [tilespmem:s21], [sflag:$0x10], $0x2400, $0x38;
	[tilespmem:$0x1B000] =	vst v63  }
0x61: {  	s30 =	sadd.s32 $0x400, s30;
	s15 =	sadd.s32 $0xFFFFFE80, s5;
	_ =	swait.ge @!p2 [sflag:s4], $0x4000  }
0x62: {  	s17 =	sand.u32 $0x380, s15;
	s13 =	sand.u32 $0x1800, s30;
	[sflag:s4] =	ssyncset.done @!p2 $0x0  }
0x63: {  	s8 =	simm.s32 $0x80;
	s7 =	sor.u32 s17, s13;
	[sflag:s4] =	ssyncadd.s32 @!p2 $0xFFFFC000  }
0x64: {  	[tilespmem:s19], [sflag:$0x7] =	stream.indirect.gather [hbm4b:s1+s8], $0x80, s7, s8, $0xb8;
	[tilespmem:$0x1B000] =	vst v63  }
0x65: {  	_ =	swait.ge [sflag:s20], $0x4000  }
0x66: {  	s4 =	simm.s32 @!p2 $0x10;
	[sflag:s20] =	ssyncset.done $0x0;
	s9 =	rddreg [dreg:$0x4]  }
0x67: {  	s7 =	simm.s32 $0x2000;
	[sflag:s20] =	ssyncadd.s32 $0xFFFFC000;
	s2 =	sadd.s32 s31, s9  }
0x68: {  	[hbm4b:s2+s3] =	stream.linear.scatter [tilespmem:s7], [sflag:$0x9], $0x4000, $0x38;
	[tilespmem:$0x1B000] =	vst v63  }
0x69: {  	p0 =	seq.s32 s31, $0x15E00;
	s0 =	sadd.s32 s17, s13;
	_ =	swait.ge @!p2 [sflag:s4], $0x2400  }
0x6a: {  	s13 =	simm.s32 @!p0 $0x2000;
	s17 =	sand.u32 @!p0 $0x300, s5;
	[sflag:s4] =	ssyncset.done @!p2 $0x0  }
0x6b: {  	s0 =	sadd.s32 $0x400, s0;
	s8 =	sadd.s32 @!p0 $0x400, s30;
	[sflag:s4] =	ssyncadd.s32 @!p2 $0xFFFFDC00  }
0x6c: {  	[tilespmem:s21], [sflag:$0x8] =	stream.indirect.gather [hbm4b:s1+s16], $0x80, s0, s16, $0xb8;
	[tilespmem:$0x1B000] =	vst v63  }
0x6d: {  	s15 =	sadd.s32 @!p0 $0xFFFFFF80, s5;
	s8 =	sand.u32 @!p0 $0x3800, s8;
	_ =	swait.ge [sflag:s22], $0x2400  }
0x6e: {  	s31 =	simm.s32 @!p0 $0x9;
	s11 =	sadd.s32 $0x800, s2;
	[sflag:s22] =	ssyncset.done $0x0  }
0x6f: {  	s7 =	sadd.s32 @!p0 $0x500, s30;
	s4 =	sadd.s32 @!p0 $0xFFFFFF00, s5;
	[sflag:s22] =	ssyncadd.s32 $0xFFFFDC00  }
0x70: {  	[hbm4b:s11+s3] =	stream.linear.scatter [tilespmem:s18], [sflag:$0xA], $0x2400, $0x38;
	[tilespmem:$0x1B000] =	vst v63  }
0x71: {  	s4 =	sand.u32 @!p0 $0x200, s4;
	s0 =	sand.u32 @!p0 $0x3800, s7;
	_ =	swait.ge @!p0 [sflag:s31], $0x4000  }
0x72: {  	s7 =	sand.u32 @!p0 $0x280, s15;
	s15 =	simm.s32 @!p0 $0x80;
	[sflag:s31] =	ssyncset.done @!p0 $0x0  }
0x73: {  	s7 =	sor.u32 @!p0 s7, s0;
	s0 =	sor.u32 @!p0 s4, s8;
	[sflag:s31] =	ssyncadd.s32 @!p0 $0xFFFFC000  }
0x74: {  	[tilespmem:s13], [sflag:$0x1] =	stream.indirect.gather @!p0 [hbm4b:s1+s15], $0x80, s0, s15, $0xb8;
	[tilespmem:$0x1B000] =	vst v63  }
0x75: {  	s9 =	simm.s32 @!p0 $0xA;
	s13 =	sadd.s32 @!p0 $0x600, s30;
	_ =	swait.ge [sflag:s23], $0x4000  }
0x76: {  	s8 =	sadd.s32 $0xC80, s2;
	s13 =	sand.u32 @!p0 $0x3800, s13;
	[sflag:s23] =	ssyncset.done $0x0  }
0x77: {  	s17 =	sor.u32 @!p0 s17, s13;
	s13 =	simm.s32 $0x8400;
	[sflag:s23] =	ssyncadd.s32 $0xFFFFC000  }
0x78: {  	[hbm4b:s8+s3] =	stream.linear.scatter [tilespmem:s13], [sflag:$0xB], $0x4000, $0x38;
	[tilespmem:$0x1B000] =	vst v63  }
0x79: {  	_ =	swait.ge @!p0 [sflag:s9], $0x2400  }
0x7a: {  	s11 =	sor.u32 @!p0 $0x400, s0;
	[sflag:s9] =	ssyncset.done @!p0 $0x0  }
0x7b: {  	s0 =	simm.s32 @!p0 $0x48;
	s8 =	simm.s32 @!p0 $0x6000;
	[sflag:s9] =	ssyncadd.s32 @!p0 $0xFFFFDC00  }
0x7c: {  	[tilespmem:s8], [sflag:$0x2] =	stream.indirect.gather @!p0 [hbm4b:s1+s0], $0x80, s11, s0, $0xb8;
	[tilespmem:$0x1B000] =	vst v63  }
0x7d: {  	s10 =	smov.u32 s6;
	_ =	swait.ge [sflag:s24], $0x2400  }
0x7e: {  	s31 =	smov.u32 s10;
	s10 =	sadd.s32 $0x1480, s2;
	[sflag:s24] =	ssyncset.done $0x0  }
0x7f: {  	s9 =	simm.s32 @!p0 $0xB;
	s11 =	simm.s32 $0xC400;
	[sflag:s24] =	ssyncadd.s32 $0xFFFFDC00  }
0x80: {  	[hbm4b:s10+s3] =	stream.linear.scatter [tilespmem:s11], [sflag:$0xC], $0x2400, $0x38;
	[tilespmem:$0x1B000] =	vst v63  }
0x81: {  	_ =	swait.ge @!p0 [sflag:s9], $0x4000  }
0x82: {  	[sflag:s9] =	ssyncset.done @!p0 $0x0  }
0x83: {  	s8 =	simm.s32 @!p0 $0x8400;
	[sflag:s9] =	ssyncadd.s32 @!p0 $0xFFFFC000  }
0x84: {  	[tilespmem:s8], [sflag:$0x3] =	stream.indirect.gather @!p0 [hbm4b:s1+s15], $0x80, s7, s15, $0xb8;
	[tilespmem:$0x1B000] =	vst v63  }
0x85: {  	_ =	swait.ge [sflag:s25], $0x4000  }
0x86: {  	[sflag:s25] =	ssyncset.done $0x0  }
0x87: {  	s10 =	sadd.s32 $0x1900, s2;
	s8 =	simm.s32 @!p0 $0xC;
	[sflag:s25] =	ssyncadd.s32 $0xFFFFC000  }
0x88: {  	[hbm4b:s10+s3] =	stream.linear.scatter [tilespmem:s12], [sflag:$0xD], $0x4000, $0x38;
	[tilespmem:$0x1B000] =	vst v63  }
0x89: {  	_ =	swait.ge @!p0 [sflag:s8], $0x2400  }
0x8a: {  	[sflag:s8] =	ssyncset.done @!p0 $0x0  }
0x8b: {  	s4 =	sor.u32 @!p0 $0x400, s7;
	s7 =	simm.s32 @!p0 $0xC400;
	[sflag:s8] =	ssyncadd.s32 @!p0 $0xFFFFDC00  }
0x8c: {  	[tilespmem:s7], [sflag:$0x4] =	stream.indirect.gather @!p0 [hbm4b:s1+s0], $0x80, s4, s0, $0xb8;
	[tilespmem:$0x1B000] =	vst v63  }
0x8d: {  	_ =	swait.ge [sflag:s26], $0x2400  }
0x8e: {  	[sflag:s26] =	ssyncset.done $0x0  }
0x8f: {  	s11 =	sadd.s32 $0x2100, s2;
	s7 =	simm.s32 @!p0 $0xD;
	[sflag:s26] =	ssyncadd.s32 $0xFFFFDC00  }
0x90: {  	[hbm4b:s11+s3] =	stream.linear.scatter [tilespmem:s14], [sflag:$0xE], $0x2400, $0x38;
	[tilespmem:$0x1B000] =	vst v63  }
0x91: {  	_ =	swait.ge @!p0 [sflag:s7], $0x4000  }
0x92: {  	s6 =	sadd.s32 $0x3200, s6;
	[sflag:s7] =	ssyncset.done @!p0 $0x0  }
0x93: {  	p1 =	sne.s32 s6, $0x19000;
	s4 =	simm.s32 @!p0 $0xE800;
	[sflag:s7] =	ssyncadd.s32 @!p0 $0xFFFFC000  }
0x94: {  	[tilespmem:s4], [sflag:$0x5] =	stream.indirect.gather @!p0 [hbm4b:s1+s15], $0x80, s17, s15, $0xb8;
	[tilespmem:$0x1B000] =	vst v63  }
.Ltmp0:
0x95: {  	_ =	swait.ge [sflag:s28], $0x4000;
	(pc) =	sbr.rel @p1 .LBB2_2-.Ltmp0, $4  }
0x96: {  	s5 =	sadd.s32 $0x200, s5;
	s13 =	sor.u32 @!p0 $0x400, s17;
	[sflag:s28] =	ssyncset.done $0x0  }
0x97: {  	s17 =	sadd.s32 $0x2580, s2;
	s4 =	simm.s32 @!p0 $0xE;
	[sflag:s28] =	ssyncadd.s32 $0xFFFFC000  }
0x98: {  	[hbm4b:s17+s3] =	stream.linear.scatter [tilespmem:s19], [sflag:$0xF], $0x4000, $0x38;
	[tilespmem:$0x1B000] =	vst v63  }
0x99: {  	p2 =	seq.s32 s31, $0x0;
	s2 =	sadd.s32 $0x2D80, s2;
	_ =	swait.ge @!p0 [sflag:s4], $0x2400  }
0x9a: {  	[sflag:s4] =	ssyncset.done @!p0 $0x0  }
0x9b: {  	[sflag:s4] =	ssyncadd.s32 @!p0 $0xFFFFDC00;
	s4 =	simm.s32 @!p0 $0x12800  }
0x9c: {  	[tilespmem:s4], [sflag:$0x6] =	stream.indirect.gather @!p0 [hbm4b:s1+s0], $0x80, s13, s0, $0xb8;
	[tilespmem:$0x1B000] =	vst v63  }
0x9d: {  	_ =	swait.ge [sflag:s29], $0x2400  }
0x9e: {  	[sflag:s29] =	ssyncset.done $0x0  }
0x9f: {  	s0 =	simm.s32 @!p2 $0xF;
	[sflag:s29] =	ssyncadd.s32 $0xFFFFDC00  }
0xa0: {  	[hbm4b:s2+s3] =	stream.linear.scatter [tilespmem:s21], [sflag:$0x10], $0x2400, $0x38;
	[tilespmem:$0x1B000] =	vst v63  }
0xa1: {  	s7 =	sadd.s32 $0xFFFFFE80, s5;
	s2 =	sadd.s32 $0x400, s30;
	_ =	swait.ge @!p2 [sflag:s0], $0x4000  }
0xa2: {  	s4 =	sand.u32 $0x380, s7;
	s6 =	sand.u32 $0x1800, s2;
	[sflag:s0] =	ssyncset.done @!p2 $0x0  }
0xa3: {  	s8 =	simm.s32 $0x80;
	s7 =	sor.u32 s4, s6;
	[sflag:s0] =	ssyncadd.s32 @!p2 $0xFFFFC000  }
0xa4: {  	[tilespmem:s19], [sflag:$0x7] =	stream.indirect.gather [hbm4b:s1+s8], $0x80, s7, s8, $0xb8;
	[tilespmem:$0x1B000] =	vst v63  }
0xa5: {  	_ =	swait.ge [sflag:s20], $0x4000  }
0xa6: {  	s7 =	simm.s32 @!p2 $0x10;
	s9 =	rddreg [dreg:$0x4];
	[sflag:s20] =	ssyncset.done $0x0  }
0xa7: {  	s8 =	simm.s32 $0x2000;
	[sflag:s20] =	ssyncadd.s32 $0xFFFFC000;
	s0 =	sadd.s32 s31, s9  }
0xa8: {  	[hbm4b:s0+s3] =	stream.linear.scatter [tilespmem:s8], [sflag:$0x9], $0x4000, $0x38;
	[tilespmem:$0x1B000] =	vst v63  }
0xa9: {  	_ =	swait.ge @!p2 [sflag:s7], $0x2400  }
0xaa: {  	s4 =	sadd.s32 s4, s6;
	[sflag:s7] =	ssyncset.done @!p2 $0x0  }
0xab: {  	s4 =	sadd.s32 $0x400, s4;
	[sflag:s7] =	ssyncadd.s32 @!p2 $0xFFFFDC00  }
0xac: {  	[tilespmem:s21], [sflag:$0x8] =	stream.indirect.gather [hbm4b:s1+s16], $0x80, s4, s16, $0xb8;
	[tilespmem:$0x1B000] =	vst v63  }
0xad: {  	p0 =	seq.s32 s31, $0x15E00;
	_ =	swait.ge [sflag:s22], $0x2400  }
0xae: {  	s6 =	sadd.s32 @!p0 $0xFFFFFF00, s5;
	[sflag:s22] =	ssyncset.done $0x0  }
0xaf: {  	s10 =	sadd.s32 $0x800, s0;
	s7 =	simm.s32 @!p0 $0x9;
	[sflag:s22] =	ssyncadd.s32 $0xFFFFDC00  }
0xb0: {  	[hbm4b:s10+s3] =	stream.linear.scatter [tilespmem:s18], [sflag:$0xA], $0x2400, $0x38;
	[tilespmem:$0x1B000] =	vst v63  }
0xb1: {  	s6 =	sand.u32 @!p0 $0x200, s6;
	s8 =	sadd.s32 @!p0 $0x400, s2;
	_ =	swait.ge @!p0 [sflag:s7], $0x4000  }
0xb2: {  	s9 =	simm.s32 @!p0 $0x80;
	s8 =	sand.u32 @!p0 $0x3800, s8;
	[sflag:s7] =	ssyncset.done @!p0 $0x0  }
0xb3: {  	s6 =	sor.u32 @!p0 s6, s8;
	s4 =	simm.s32 @!p0 $0x2000;
	[sflag:s7] =	ssyncadd.s32 @!p0 $0xFFFFC000  }
0xb4: {  	[tilespmem:s4], [sflag:$0x1] =	stream.indirect.gather @!p0 [hbm4b:s1+s9], $0x80, s6, s9, $0xb8;
	[tilespmem:$0x1B000] =	vst v63  }
0xb5: {  	_ =	swait.ge [sflag:s23], $0x4000  }
0xb6: {  	s13 =	simm.s32 $0x8400;
	[sflag:s23] =	ssyncset.done $0x0  }
0xb7: {  	s11 =	sadd.s32 $0xC80, s0;
	s7 =	simm.s32 @!p0 $0xA;
	[sflag:s23] =	ssyncadd.s32 $0xFFFFC000  }
0xb8: {  	[hbm4b:s11+s3] =	stream.linear.scatter [tilespmem:s13], [sflag:$0xB], $0x4000, $0x38;
	[tilespmem:$0x1B000] =	vst v63  }
0xb9: {  	_ =	swait.ge @!p0 [sflag:s7], $0x2400  }
0xba: {  	s8 =	simm.s32 @!p0 $0x6000;
	[sflag:s7] =	ssyncset.done @!p0 $0x0  }
0xbb: {  	s4 =	sor.u32 @!p0 $0x400, s6;
	s6 =	simm.s32 @!p0 $0x48;
	[sflag:s7] =	ssyncadd.s32 @!p0 $0xFFFFDC00  }
0xbc: {  	[tilespmem:s8], [sflag:$0x2] =	stream.indirect.gather @!p0 [hbm4b:s1+s6], $0x80, s4, s6, $0xb8;
	[tilespmem:$0x1B000] =	vst v63  }
0xbd: {  	_ =	swait.ge [sflag:s24], $0x2400  }
0xbe: {  	s17 =	simm.s32 $0xC400;
	[sflag:s24] =	ssyncset.done $0x0  }
0xbf: {  	s15 =	sadd.s32 $0x1480, s0;
	s7 =	simm.s32 @!p0 $0xB;
	[sflag:s24] =	ssyncadd.s32 $0xFFFFDC00  }
0xc0: {  	[hbm4b:s15+s3] =	stream.linear.scatter [tilespmem:s17], [sflag:$0xC], $0x2400, $0x38;
	[tilespmem:$0x1B000] =	vst v63  }
0xc1: {  	s4 =	sadd.s32 @!p0 $0xFFFFFF80, s5;
	s8 =	sadd.s32 @!p0 $0x500, s2;
	_ =	swait.ge @!p0 [sflag:s7], $0x4000  }
0xc2: {  	s8 =	sand.u32 @!p0 $0x3800, s8;
	s4 =	sand.u32 @!p0 $0x280, s4;
	[sflag:s7] =	ssyncset.done @!p0 $0x0  }
0xc3: {  	s4 =	sor.u32 @!p0 s4, s8;
	[sflag:s7] =	ssyncadd.s32 @!p0 $0xFFFFC000;
	s7 =	simm.s32 @!p0 $0x8400  }
0xc4: {  	[tilespmem:s7], [sflag:$0x3] =	stream.indirect.gather @!p0 [hbm4b:s1+s9], $0x80, s4, s9, $0xb8;
	[tilespmem:$0x1B000] =	vst v63  }
0xc5: {  	_ =	swait.ge [sflag:s25], $0x4000  }
0xc6: {  	[sflag:s25] =	ssyncset.done $0x0  }
0xc7: {  	s30 =	sadd.s32 $0x1900, s0;
	s7 =	simm.s32 @!p0 $0xC;
	[sflag:s25] =	ssyncadd.s32 $0xFFFFC000  }
0xc8: {  	[hbm4b:s30+s3] =	stream.linear.scatter [tilespmem:s12], [sflag:$0xD], $0x4000, $0x38;
	[tilespmem:$0x1B000] =	vst v63  }
0xc9: {  	_ =	swait.ge @!p0 [sflag:s7], $0x2400  }
0xca: {  	[sflag:s7] =	ssyncset.done @!p0 $0x0  }
0xcb: {  	s4 =	sor.u32 @!p0 $0x400, s4;
	[sflag:s7] =	ssyncadd.s32 @!p0 $0xFFFFDC00;
	s7 =	simm.s32 @!p0 $0xC400  }
0xcc: {  	[tilespmem:s7], [sflag:$0x4] =	stream.indirect.gather @!p0 [hbm4b:s1+s6], $0x80, s4, s6, $0xb8;
	[tilespmem:$0x1B000] =	vst v63  }
0xcd: {  	_ =	swait.ge [sflag:s26], $0x2400  }
0xce: {  	[sflag:s26] =	ssyncset.done $0x0  }
0xcf: {  	s31 =	sadd.s32 $0x2100, s0;
	s4 =	simm.s32 @!p0 $0xD;
	[sflag:s26] =	ssyncadd.s32 $0xFFFFDC00  }
0xd0: {  	[hbm4b:s31+s3] =	stream.linear.scatter [tilespmem:s14], [sflag:$0xE], $0x2400, $0x38;
	[tilespmem:$0x1B000] =	vst v63  }
0xd1: {  	s2 =	sadd.s32 @!p0 $0x600, s2;
	_ =	swait.ge @!p0 [sflag:s4], $0x4000  }
0xd2: {  	s5 =	sand.u32 @!p0 $0x300, s5;
	s2 =	sand.u32 @!p0 $0x3800, s2;
	[sflag:s4] =	ssyncset.done @!p0 $0x0  }
0xd3: {  	s2 =	sor.u32 @!p0 s5, s2;
	[sflag:s4] =	ssyncadd.s32 @!p0 $0xFFFFC000;
	s4 =	simm.s32 @!p0 $0xE800  }
0xd4: {  	[tilespmem:s4], [sflag:$0x5] =	stream.indirect.gather @!p0 [hbm4b:s1+s9], $0x80, s2, s9, $0xb8;
	[tilespmem:$0x1B000] =	vst v63  }
0xd5: {  	_ =	swait.ge [sflag:s28], $0x4000  }
0xd6: {  	[sflag:s28] =	ssyncset.done $0x0  }
0xd7: {  	s5 =	sadd.s32 $0x2580, s0;
	s4 =	simm.s32 @!p0 $0xE;
	[sflag:s28] =	ssyncadd.s32 $0xFFFFC000  }
0xd8: {  	[hbm4b:s5+s3] =	stream.linear.scatter [tilespmem:s19], [sflag:$0xF], $0x4000, $0x38;
	[tilespmem:$0x1B000] =	vst v63  }
0xd9: {  	_ =	swait.ge @!p0 [sflag:s4], $0x2400  }
0xda: {  	[sflag:s4] =	ssyncset.done @!p0 $0x0  }
0xdb: {  	s2 =	sor.u32 @!p0 $0x400, s2;
	[sflag:s4] =	ssyncadd.s32 @!p0 $0xFFFFDC00;
	s4 =	simm.s32 @!p0 $0x12800  }
0xdc: {  	[tilespmem:s4], [sflag:$0x6] =	stream.indirect.gather @!p0 [hbm4b:s1+s6], $0x80, s2, s6, $0xb8;
	[tilespmem:$0x1B000] =	vst v63  }
0xdd: {  	_ =	swait.ge [sflag:s29], $0x2400  }
0xde: {  	[sflag:s29] =	ssyncset.done $0x0  }
0xdf: {  	s0 =	sadd.s32 $0x2D80, s0;
	s7 =	simm.s32 $0x9;
	[sflag:s29] =	ssyncadd.s32 $0xFFFFDC00  }
0xe0: {  	[hbm4b:s0+s3] =	stream.linear.scatter [tilespmem:s21], [sflag:$0x10], $0x2400, $0x38;
	[tilespmem:$0x1B000] =	vst v63  }
0xe1: {  	_ =	swait.ge [sflag:s7], $0x4000  }
0xe2: {  	[sflag:s7] =	ssyncset.done $0x0  }
0xe3: {  	s8 =	simm.s32 $0xA;
	[sflag:s7] =	ssyncadd.s32 $0xFFFFC000  }
0xe4: {  	_ =	swait.ge [sflag:s8], $0x2400  }
0xe5: {  	[sflag:s8] =	ssyncset.done $0x0  }
0xe6: {  	s9 =	simm.s32 $0xB;
	[sflag:s8] =	ssyncadd.s32 $0xFFFFDC00  }
0xe7: {  	_ =	swait.ge [sflag:s9], $0x4000  }
0xe8: {  	[sflag:s9] =	ssyncset.done $0x0  }
0xe9: {  	s10 =	simm.s32 $0xC;
	[sflag:s9] =	ssyncadd.s32 $0xFFFFC000  }
0xea: {  	_ =	swait.ge [sflag:s10], $0x2400  }
0xeb: {  	[sflag:s10] =	ssyncset.done $0x0  }
0xec: {  	s11 =	simm.s32 $0xD;
	[sflag:s10] =	ssyncadd.s32 $0xFFFFDC00  }
0xed: {  	_ =	swait.ge [sflag:s11], $0x4000  }
0xee: {  	[sflag:s11] =	ssyncset.done $0x0  }
0xef: {  	s13 =	simm.s32 $0xE;
	[sflag:s11] =	ssyncadd.s32 $0xFFFFC000  }
0xf0: {  	_ =	swait.ge [sflag:s13], $0x2400  }
0xf1: {  	[sflag:s13] =	ssyncset.done $0x0  }
0xf2: {  	s15 =	simm.s32 $0xF;
	[sflag:s13] =	ssyncadd.s32 $0xFFFFDC00  }
0xf3: {  	_ =	swait.ge [sflag:s15], $0x4000  }
0xf4: {  	[sflag:s15] =	ssyncset.done $0x0  }
0xf5: {  	s17 =	simm.s32 $0x10;
	[sflag:s15] =	ssyncadd.s32 $0xFFFFC000  }
0xf6: {  	_ =	swait.ge [sflag:s17], $0x2400  }
0xf7: {  	s30 =	rddreg [dreg:$0x7]  }
0xf8: {  	s31 =	rddreg [dreg:$0x6];
	s4 =	sadd.s32 $0x1, s30  }
0xf9: {  	p0 =	sne.s32 s4, s31  }
.Ltmp1:
0xfa: {  	_ = 	snop;
	(pc) =	sbr.rel @p0 .LBB2_1-.Ltmp1, $3  }
0xfb: {  	_ =	sdelay $0x1  }
0xfc: {  	[sflag:s17] =	ssyncset.done $0x0  }
0xfd: {  	[sflag:s17] =	ssyncadd.s32 $0xFFFFDC00  }
0xfe: {  	_ =	sfence.sel $0x180000  }
0xff: {  	[bflag:$0x0] =	sbarrier.arrive $0xFFFF  }
0x100: {  	_ =	strace $0x90000047  }
0x101: {  	s0 =	stileid.u32;
	[bflag:$0x2] =	sbarrier.arrive $0xFFFF  }
0x102: {  	p0 =	sne.s32 s0, $0x0;
	s0 =	rddreg [dreg:$0x3]  }
0x103: {  	s0 =	sadd.s32 @!p0 $0x100000, s0  }
0x104: {  	[sflag:s0] =	ssyncadd.tile.s32 @!p0 $0x1;
	_ =	shalt  }
.Lfunc_end2:
_tile_overlayer_lowered:
.L_overlay_start_2:
0x105: {  	(tag) =	ssettag $0x2  }
0x106: {  	s0 =	rddreg [dreg:$0x0];
	s2 =	stileid.u32  }
0x107: {  	s1 =	rddreg [dreg:$0x1];
	p0 =	sne.s32 s2, $0x0  }
0x108: {  	s3 =	rddreg [dreg:$0x2];
	[bflag:$0x3] =	sbarrier.arrive $0xFFFF;
	s2 =	simm.s32 @!p0 $0x1C11  }
0x109: {  	[timem:s3], [sflag:s2] =	dma.local @!p0 [hbm:s0], s1  }
0x10a: {  	s0 =	simm.s32 @!p0 $0x11  }
0x10b: {  	_ =	swait.ge @!p0 [sflag:s0], s1  }
0x10c: {  	s1 =	ssub.s32 @!p0 $0x0, s1;
	[sflag:s0] =	ssyncset.done @!p0 $0x0  }
0x10d: {  	[sflag:s0] =	ssyncadd.s32 @!p0 s1  }
0x10e: {  	[bflag:$0x3] =	sbarrier.arrive $0xFFFF  }
0x10f: {  	_ =	shalt  }

</sc_bundles>
